<compile_context>
chip_gen: v7x
topology: tpu7x:2x2x1
jax: 0.10.2.dev20260603
libtpu: 0.0.44.dev20260713+nightly
codegen_flags: <defaults>
</compile_context>

<pallas_src>
import functools
import math

import jax
import jax.numpy as jnp
from jax import lax
from jax.experimental import pallas as pl
from jax.experimental.pallas import tpu as pltpu
from jax.experimental.pallas import tpu_sc as plsc

S = 2048
D = 768
NH = 12
DH = 64
NN = 4096
K = 8

BS = 256


def _bdot(a, b, dims=(((1,), (0,)), ((), ()))):
    return lax.dot_general(a.astype(jnp.bfloat16), b.astype(jnp.bfloat16),
                           dims, preferred_element_type=jnp.float32)


def _bdot_acc(a, b, dims, acc):
    (lc,), (rc,) = dims[0]
    kdim = a.shape[lc]
    out = acc
    for c in range(0, kdim, 256):
        ac = lax.slice_in_dim(a, c, min(c + 256, kdim), axis=lc)
        bc = lax.slice_in_dim(b, c, min(c + 256, kdim), axis=rc)
        out = out + lax.dot_general(
            ac.astype(jnp.bfloat16), bc.astype(jnp.bfloat16),
            dims, preferred_element_type=jnp.float32)
    return out


_KV = 1024


def _attn_body(x_ref, wq_ref, wk_ref, wv_ref, bq_ref, bk_ref, bv_ref, ctx_ref):
    x = x_ref[...]
    wq = wq_ref[0]
    wk = wk_ref[0]
    wv = wv_ref[0]
    dnT = (((0,), (1,)), ((), ()))
    q = _bdot(wq, x, dnT).T + bq_ref[0]
    k = _bdot(wk, x, dnT).T + bk_ref[0]
    v = _bdot(wv, x, dnT).T + bv_ref[0]
    m = jnp.full((S, 1), -jnp.inf, jnp.float32)
    s = jnp.zeros((S, 1), jnp.float32)
    acc = jnp.zeros((S, DH), jnp.float32)
    for j in range(S // _KV):
        kj = k[j * _KV:(j + 1) * _KV, :]
        vj = v[j * _KV:(j + 1) * _KV, :]
        a = _bdot(q, kj, (((1,), (1,)), ((), ()))) * (1.0 / math.sqrt(DH))
        mj = jnp.max(a, axis=-1, keepdims=True)
        m_new = jnp.maximum(m, mj)
        corr = jnp.where(m == m_new, 0.0, m - m_new)
        e = jnp.exp(a - m_new)
        rs = jnp.sum(e, axis=-1, keepdims=True)
        factor = jnp.exp(corr) * s
        s_new = factor + rs
        dn2 = (((1,), (0,)), ((), ()))
        q1 = _bdot(e[:, 0:256], vj[0:256, :], dn2)
        q2 = _bdot(e[:, 256:512], vj[256:512, :], dn2)
        q3 = _bdot(e[:, 512:768], vj[512:768, :], dn2)
        q4 = _bdot(e[:, 768:1024], vj[768:1024, :], dn2)
        mm = factor * acc + ((q1 + q2) + (q3 + q4))
        acc = mm * (1.0 / s_new)
        m, s = m_new, s_new
    ctx_ref[0] = acc


def _attention(x2, wq_h, wk_h, wv_h, bq_h, bk_h, bv_h):
    return pl.pallas_call(
        _attn_body,
        grid=(NH,),
        in_specs=[
            pl.BlockSpec((S, D), lambda h: (0, 0)),
            pl.BlockSpec((1, D, DH), lambda h: (h, 0, 0)),
            pl.BlockSpec((1, D, DH), lambda h: (h, 0, 0)),
            pl.BlockSpec((1, D, DH), lambda h: (h, 0, 0)),
            pl.BlockSpec((1, 1, DH), lambda h: (h, 0, 0)),
            pl.BlockSpec((1, 1, DH), lambda h: (h, 0, 0)),
            pl.BlockSpec((1, 1, DH), lambda h: (h, 0, 0)),
        ],
        out_specs=pl.BlockSpec((1, S, DH), lambda h: (h, 0, 0)),
        out_shape=jax.ShapeDtypeStruct((NH, S, DH), jnp.float32),
    )(x2, wq_h, wk_h, wv_h, bq_h, bk_h, bv_h)


def _score_body(x_ref, c_ref, n_ref, wp_ref, bp_ref, idx_ref, wts_ref):
    xb = x_ref[...]
    cb = c_ref[...]
    n = n_ref[...]
    zn = jnp.zeros((BS, NN), jnp.float32)
    dt = (((1,), (1,)), ((), ()))
    ts = _bdot_acc(xb, n, dt, zn)
    cs = _bdot_acc(cb, n, dt, zn)
    comb = jnp.concatenate([xb, cb], axis=-1)
    logit = _bdot_acc(comb, wp_ref[...], (((1,), (0,)), ((), ())),
                      jnp.zeros((BS, 2), jnp.float32)) + bp_ref[...]
    lm = jnp.max(logit, axis=-1, keepdims=True)
    le = jnp.exp(logit - lm)
    w = le / jnp.sum(le, axis=-1, keepdims=True)
    sc = w[:, 0:1] * ts + w[:, 1:2] * cs

    iota = lax.broadcasted_iota(jnp.int32, sc.shape, 1)
    idxs, vals = [], []
    cur = sc
    for _ in range(K):
        mj = jnp.max(cur, axis=-1, keepdims=True)
        ij = jnp.min(jnp.where(cur == mj, iota, NN), axis=-1, keepdims=True)
        idxs.append(ij)
        vals.append(mj)
        cur = jnp.where(iota == ij, -jnp.inf, cur)
    tidx = jnp.concatenate(idxs, axis=-1)
    tval = jnp.concatenate(vals, axis=-1)
    mv = jnp.max(tval, axis=-1, keepdims=True)
    ev = jnp.exp(tval - mv)
    idx_ref[...] = tidx
    wts_ref[...] = ev / jnp.sum(ev, axis=-1, keepdims=True)


def _score_topk(x2, context, neurons, wp, bp2):
    return pl.pallas_call(
        _score_body,
        grid=(S // BS,),
        in_specs=[
            pl.BlockSpec((BS, D), lambda i: (i, 0)),
            pl.BlockSpec((BS, D), lambda i: (i, 0)),
            pl.BlockSpec((NN, D), lambda i: (0, 0)),
            pl.BlockSpec((2 * D, 2), lambda i: (0, 0)),
            pl.BlockSpec((1, 2), lambda i: (0, 0)),
        ],
        out_specs=[
            pl.BlockSpec((BS, K), lambda i: (i, 0)),
            pl.BlockSpec((BS, K), lambda i: (i, 0)),
        ],
        out_shape=[
            jax.ShapeDtypeStruct((S, K), jnp.int32),
            jax.ShapeDtypeStruct((S, K), jnp.float32),
        ],
    )(x2, context, neurons, wp, bp2)


_NW = 32
_PER_W = (S * K) // _NW
_CH = 128
_NCHUNK = _PER_W // _CH


def _gather_body(table_hbm, idx_hbm, out_hbm, idx_v, rows_v, sem):
    wid = lax.axis_index("s") * 2 + lax.axis_index("c")
    base = wid * _PER_W
    for c in range(_NCHUNK):
        off = base + c * _CH
        pltpu.sync_copy(idx_hbm.at[pl.ds(off, _CH)], idx_v)
        pltpu.async_copy(table_hbm.at[idx_v], rows_v, sem).wait()
        pltpu.sync_copy(rows_v, out_hbm.at[pl.ds(off, _CH)])


@functools.cache
def _make_gather():
    return pl.kernel(
        _gather_body,
        out_type=jax.ShapeDtypeStruct((S * K, D), jnp.float32),
        mesh=plsc.VectorSubcoreMesh(core_axis_name="c", subcore_axis_name="s"),
        scratch_types=[
            pltpu.VMEM((_CH,), jnp.int32),
            pltpu.VMEM((_CH, D), jnp.float32),
            pltpu.SemaphoreType.DMA,
        ],
    )


def _gather(table, idx):
    return _make_gather()(table, idx)


def kernel(x, neurons, Wq, bq, Wk, bk, Wv, bv, Wp, bp):
    x2 = x.reshape(S, D)
    wq_h = Wq.reshape(D, NH, DH).transpose(1, 0, 2)
    wk_h = Wk.reshape(D, NH, DH).transpose(1, 0, 2)
    wv_h = Wv.reshape(D, NH, DH).transpose(1, 0, 2)
    bq_h = bq.reshape(NH, 1, DH)
    bk_h = bk.reshape(NH, 1, DH)
    bv_h = bv.reshape(NH, 1, DH)

    ctx_heads = _attention(x2, wq_h, wk_h, wv_h, bq_h, bk_h, bv_h)
    context = ctx_heads.transpose(1, 0, 2).reshape(S, D)

    tidx, twts = _score_topk(x2, context, neurons, Wp, bp.reshape(1, 2))

    sel = _gather(neurons, tidx.reshape(S * K))

    return (sel.reshape(1, S, K, D), tidx.reshape(1, S, K),
            twts.reshape(1, S, K), context.reshape(1, S, D))

# --- scband reference (transcript-rebuilt; emitter-appended) ---
"""Pipeline reference for scband-neuron-router-19035295056634 (READ-ONLY COPY).

The authoritative reference and input builder live on the scoring server;
editing this copy changes nothing except your own understanding.
"""

import jax, jax.numpy as jnp
import numpy as np
import math

B, S, D = 1, 2048, 768
N_NEURONS = 4096
N_HEADS = 12
TOP_K = 8


def _linear_params(key, fan_in, fan_out):
    kw, kb = jax.random.split(key)
    lim = 1.0 / math.sqrt(fan_in)
    W = jax.random.uniform(kw, (fan_in, fan_out), jnp.float32, -lim, lim)
    b = jax.random.uniform(kb, (fan_out,), jnp.float32, -lim, lim)
    return W, b


def setup_inputs(seed: int = 0) -> dict:
    key = jax.random.key(seed)
    ks = jax.random.split(key, 6)
    x = jax.random.normal(ks[0], (B, S, D), jnp.float32)
    neurons = jax.random.normal(ks[1], (N_NEURONS, D), jnp.float32) * 0.02
    Wq, bq = _linear_params(ks[2], D, D)
    Wk, bk = _linear_params(ks[3], D, D)
    Wv, bv = _linear_params(ks[4], D, D)
    Wp, bp = _linear_params(ks[5], 2 * D, 2)
    return {"x": x, "neurons": neurons, "Wq": Wq, "bq": bq, "Wk": Wk, "bk": bk,
            "Wv": Wv, "bv": bv, "Wp": Wp, "bp": bp}


def reference(x, neurons, Wq, bq, Wk, bk, Wv, bv, Wp, bp):
    b, s, d = x.shape
    dh = d // N_HEADS
    q = (x @ Wq + bq).reshape(b, s, N_HEADS, dh).transpose(0, 2, 1, 3)
    k = (x @ Wk + bk).reshape(b, s, N_HEADS, dh).transpose(0, 2, 1, 3)
    v = (x @ Wv + bv).reshape(b, s, N_HEADS, dh).transpose(0, 2, 1, 3)
    attn = jnp.matmul(q, k.transpose(0, 1, 3, 2)) / math.sqrt(dh)
    attn = jax.nn.softmax(attn, axis=-1)
    context = jnp.matmul(attn, v).transpose(0, 2, 1, 3).reshape(b, s, d)
    token_scores = jnp.matmul(x, neurons.T)
    context_scores = jnp.matmul(context, neurons.T)
    combined = jnp.concatenate([x, context], axis=-1)
    weights = jax.nn.softmax(combined @ Wp + bp, axis=-1)
    scores = weights[:, :, 0:1] * token_scores + weights[:, :, 1:2] * context_scores
    topk_scores, topk_idx = jax.lax.top_k(scores, TOP_K)
    topk_weights = jax.nn.softmax(topk_scores, axis=-1)
    selected = jnp.take(neurons, topk_idx, axis=0)
    return selected, topk_idx, topk_weights, context

if __name__ == "__main__":
    import jax
    _d = setup_inputs()
    print(jax.jit(kernel)(*tuple(_d.values())))

</pallas_src>

<mosaic_0001>
#map = affine_map<(d0, d1) -> (0, 0)>
#map1 = affine_map<(d0, d1) -> (0)>
module attributes {stable_mosaic.version = 14 : i64} {
  func.func @_gather_body(%arg0: i32, %arg1: i32, %arg2: memref<4096x768xf32, #tpu.memory_space<hbm>>, %arg3: memref<16384xi32, #tpu.memory_space<hbm>>, %arg4: memref<16384x768xf32, #tpu.memory_space<hbm>>, %arg5: memref<128xi32, #tpu.memory_space<vmem>>, %arg6: memref<128x768xf32, #tpu.memory_space<vmem>>, %arg7: memref<!tpu.dma_semaphore, #tpu.memory_space<semaphore_mem>>) attributes {dimension_semantics = [#tpu.dimension_semantics<core_parallel>, #tpu.dimension_semantics<subcore_parallel>], iteration_bounds = array<i64: 2, 16>, scalar_prefetch = 0 : i64, scratch_operands = 3 : i64, tpu.core_type = #tpu.core_type<sc_vector_subcore>, window_params = [{transform_indices = #map}, {transform_indices = #map1}, {transform_indices = #map}]} {
    %mul3A = arith.constant 2 : i32
    %mul3A_0 = arith.muli %arg1, %mul3A : i32
    %add3A = arith.addi %mul3A_0, %arg0 : i32
    %mul3A_1 = arith.constant 512 : i32
    %mul3A_2 = arith.muli %add3A, %mul3A_1 : i32
    %add3A_3 = arith.constant 0 : i32
    %add3A_4 = arith.addi %mul3A_2, %add3A_3 : i32
    "tpu.region"() ({
      %run_scoped3A = tpu.sem_alloc : memref<!tpu.dma_semaphore, #tpu.memory_space<semaphore_mem>>
      %dma_start3A_33 = tpu.memref_slice %arg3[%add3A_4] : memref<16384xi32, #tpu.memory_space<hbm>> -> memref<128xi32, #tpu.memory_space<hbm>>
      %dma_start3A_34 = tpu.memref_slice %arg3[%add3A_4] : memref<16384xi32, #tpu.memory_space<hbm>> -> memref<128xi32, #tpu.memory_space<hbm>>
      tpu.enqueue_dma source(%dma_start3A_34 : memref<128xi32, #tpu.memory_space<hbm>>) target(%arg5 : memref<128xi32, #tpu.memory_space<vmem>>) target_semaphore(%run_scoped3A : memref<!tpu.dma_semaphore, #tpu.memory_space<semaphore_mem>>)
      %dma_wait3A_35 = tpu.memref_slice %arg3[%add3A_4] : memref<16384xi32, #tpu.memory_space<hbm>> -> memref<128xi32, #tpu.memory_space<hbm>>
      %dma_wait3A_36 = tpu.memref_slice %arg3[%add3A_4] : memref<16384xi32, #tpu.memory_space<hbm>> -> memref<128xi32, #tpu.memory_space<hbm>>
      tpu.wait_dma2 semaphore(%run_scoped3A : memref<!tpu.dma_semaphore, #tpu.memory_space<semaphore_mem>>) src(%dma_wait3A_36 : memref<128xi32, #tpu.memory_space<hbm>>) dst(%arg5 : memref<128xi32, #tpu.memory_space<vmem>>)
      tpu.yield
    }) : () -> ()
    %dma_start3A = arith.constant 0 : i32
    %dma_start3A_5 = arith.constant 0 : i32
    %dma_start3A_6 = tpu.memref_slice %arg2[%dma_start3A, %dma_start3A_5] : memref<4096x768xf32, #tpu.memory_space<hbm>> -> memref<4096x768xf32, #tpu.memory_space<hbm>>
    tpu.enqueue_indirect_dma source(%dma_start3A_6 : memref<4096x768xf32, #tpu.memory_space<hbm>>) target(%arg6 : memref<128x768xf32, #tpu.memory_space<vmem>>) offsets(%arg5 : memref<128xi32, #tpu.memory_space<vmem>>) semaphore(%arg7 : memref<!tpu.dma_semaphore, #tpu.memory_space<semaphore_mem>>)
    %dma_wait3A = arith.constant 0 : i32
    %dma_wait3A_7 = arith.constant 0 : i32
    %dma_wait3A_8 = tpu.memref_slice %arg2[%dma_wait3A, %dma_wait3A_7] : memref<4096x768xf32, #tpu.memory_space<hbm>> -> memref<4096x768xf32, #tpu.memory_space<hbm>>
    tpu.wait_indirect_dma semaphore(%arg7 : memref<!tpu.dma_semaphore, #tpu.memory_space<semaphore_mem>>) src(%dma_wait3A_8 : memref<4096x768xf32, #tpu.memory_space<hbm>>) dst(%arg6 : memref<128x768xf32, #tpu.memory_space<vmem>>)
    "tpu.region"() ({
      %run_scoped3A = tpu.sem_alloc : memref<!tpu.dma_semaphore, #tpu.memory_space<semaphore_mem>>
      %dma_start3A_33 = arith.constant 0 : i32
      %dma_start3A_34 = tpu.memref_slice %arg4[%add3A_4, %dma_start3A_33] : memref<16384x768xf32, #tpu.memory_space<hbm>> -> memref<128x768xf32, #tpu.memory_space<hbm>>
      %dma_start3A_35 = arith.constant 0 : i32
      %dma_start3A_36 = tpu.memref_slice %arg4[%add3A_4, %dma_start3A_35] : memref<16384x768xf32, #tpu.memory_space<hbm>> -> memref<128x768xf32, #tpu.memory_space<hbm>>
      tpu.enqueue_dma source(%arg6 : memref<128x768xf32, #tpu.memory_space<vmem>>) target(%dma_start3A_36 : memref<128x768xf32, #tpu.memory_space<hbm>>) target_semaphore(%run_scoped3A : memref<!tpu.dma_semaphore, #tpu.memory_space<semaphore_mem>>)
      %dma_wait3A_37 = arith.constant 0 : i32
      %dma_wait3A_38 = tpu.memref_slice %arg4[%add3A_4, %dma_wait3A_37] : memref<16384x768xf32, #tpu.memory_space<hbm>> -> memref<128x768xf32, #tpu.memory_space<hbm>>
      %dma_wait3A_39 = arith.constant 0 : i32
      %dma_wait3A_40 = tpu.memref_slice %arg4[%add3A_4, %dma_wait3A_39] : memref<16384x768xf32, #tpu.memory_space<hbm>> -> memref<128x768xf32, #tpu.memory_space<hbm>>
      tpu.wait_dma2 semaphore(%run_scoped3A : memref<!tpu.dma_semaphore, #tpu.memory_space<semaphore_mem>>) src(%arg6 : memref<128x768xf32, #tpu.memory_space<vmem>>) dst(%dma_wait3A_40 : memref<128x768xf32, #tpu.memory_space<hbm>>)
      tpu.yield
    }) : () -> ()
    %add3A_9 = arith.constant 128 : i32
    %add3A_10 = arith.addi %mul3A_2, %add3A_9 : i32
    "tpu.region"() ({
      %run_scoped3A = tpu.sem_alloc : memref<!tpu.dma_semaphore, #tpu.memory_space<semaphore_mem>>
      %dma_start3A_33 = tpu.memref_slice %arg3[%add3A_10] : memref<16384xi32, #tpu.memory_space<hbm>> -> memref<128xi32, #tpu.memory_space<hbm>>
      %dma_start3A_34 = tpu.memref_slice %arg3[%add3A_10] : memref<16384xi32, #tpu.memory_space<hbm>> -> memref<128xi32, #tpu.memory_space<hbm>>
      tpu.enqueue_dma source(%dma_start3A_34 : memref<128xi32, #tpu.memory_space<hbm>>) target(%arg5 : memref<128xi32, #tpu.memory_space<vmem>>) target_semaphore(%run_scoped3A : memref<!tpu.dma_semaphore, #tpu.memory_space<semaphore_mem>>)
      %dma_wait3A_35 = tpu.memref_slice %arg3[%add3A_10] : memref<16384xi32, #tpu.memory_space<hbm>> -> memref<128xi32, #tpu.memory_space<hbm>>
      %dma_wait3A_36 = tpu.memref_slice %arg3[%add3A_10] : memref<16384xi32, #tpu.memory_space<hbm>> -> memref<128xi32, #tpu.memory_space<hbm>>
      tpu.wait_dma2 semaphore(%run_scoped3A : memref<!tpu.dma_semaphore, #tpu.memory_space<semaphore_mem>>) src(%dma_wait3A_36 : memref<128xi32, #tpu.memory_space<hbm>>) dst(%arg5 : memref<128xi32, #tpu.memory_space<vmem>>)
      tpu.yield
    }) : () -> ()
    %dma_start3A_11 = arith.constant 0 : i32
    %dma_start3A_12 = arith.constant 0 : i32
    %dma_start3A_13 = tpu.memref_slice %arg2[%dma_start3A_11, %dma_start3A_12] : memref<4096x768xf32, #tpu.memory_space<hbm>> -> memref<4096x768xf32, #tpu.memory_space<hbm>>
    tpu.enqueue_indirect_dma source(%dma_start3A_13 : memref<4096x768xf32, #tpu.memory_space<hbm>>) target(%arg6 : memref<128x768xf32, #tpu.memory_space<vmem>>) offsets(%arg5 : memref<128xi32, #tpu.memory_space<vmem>>) semaphore(%arg7 : memref<!tpu.dma_semaphore, #tpu.memory_space<semaphore_mem>>)
    %dma_wait3A_14 = arith.constant 0 : i32
    %dma_wait3A_15 = arith.constant 0 : i32
    %dma_wait3A_16 = tpu.memref_slice %arg2[%dma_wait3A_14, %dma_wait3A_15] : memref<4096x768xf32, #tpu.memory_space<hbm>> -> memref<4096x768xf32, #tpu.memory_space<hbm>>
    tpu.wait_indirect_dma semaphore(%arg7 : memref<!tpu.dma_semaphore, #tpu.memory_space<semaphore_mem>>) src(%dma_wait3A_16 : memref<4096x768xf32, #tpu.memory_space<hbm>>) dst(%arg6 : memref<128x768xf32, #tpu.memory_space<vmem>>)
    "tpu.region"() ({
      %run_scoped3A = tpu.sem_alloc : memref<!tpu.dma_semaphore, #tpu.memory_space<semaphore_mem>>
      %dma_start3A_33 = arith.constant 0 : i32
      %dma_start3A_34 = tpu.memref_slice %arg4[%add3A_10, %dma_start3A_33] : memref<16384x768xf32, #tpu.memory_space<hbm>> -> memref<128x768xf32, #tpu.memory_space<hbm>>
      %dma_start3A_35 = arith.constant 0 : i32
      %dma_start3A_36 = tpu.memref_slice %arg4[%add3A_10, %dma_start3A_35] : memref<16384x768xf32, #tpu.memory_space<hbm>> -> memref<128x768xf32, #tpu.memory_space<hbm>>
      tpu.enqueue_dma source(%arg6 : memref<128x768xf32, #tpu.memory_space<vmem>>) target(%dma_start3A_36 : memref<128x768xf32, #tpu.memory_space<hbm>>) target_semaphore(%run_scoped3A : memref<!tpu.dma_semaphore, #tpu.memory_space<semaphore_mem>>)
      %dma_wait3A_37 = arith.constant 0 : i32
      %dma_wait3A_38 = tpu.memref_slice %arg4[%add3A_10, %dma_wait3A_37] : memref<16384x768xf32, #tpu.memory_space<hbm>> -> memref<128x768xf32, #tpu.memory_space<hbm>>
      %dma_wait3A_39 = arith.constant 0 : i32
      %dma_wait3A_40 = tpu.memref_slice %arg4[%add3A_10, %dma_wait3A_39] : memref<16384x768xf32, #tpu.memory_space<hbm>> -> memref<128x768xf32, #tpu.memory_space<hbm>>
      tpu.wait_dma2 semaphore(%run_scoped3A : memref<!tpu.dma_semaphore, #tpu.memory_space<semaphore_mem>>) src(%arg6 : memref<128x768xf32, #tpu.memory_space<vmem>>) dst(%dma_wait3A_40 : memref<128x768xf32, #tpu.memory_space<hbm>>)
      tpu.yield
    }) : () -> ()
    %add3A_17 = arith.constant 256 : i32
    %add3A_18 = arith.addi %mul3A_2, %add3A_17 : i32
    "tpu.region"() ({
      %run_scoped3A = tpu.sem_alloc : memref<!tpu.dma_semaphore, #tpu.memory_space<semaphore_mem>>
      %dma_start3A_33 = tpu.memref_slice %arg3[%add3A_18] : memref<16384xi32, #tpu.memory_space<hbm>> -> memref<128xi32, #tpu.memory_space<hbm>>
      %dma_start3A_34 = tpu.memref_slice %arg3[%add3A_18] : memref<16384xi32, #tpu.memory_space<hbm>> -> memref<128xi32, #tpu.memory_space<hbm>>
      tpu.enqueue_dma source(%dma_start3A_34 : memref<128xi32, #tpu.memory_space<hbm>>) target(%arg5 : memref<128xi32, #tpu.memory_space<vmem>>) target_semaphore(%run_scoped3A : memref<!tpu.dma_semaphore, #tpu.memory_space<semaphore_mem>>)
      %dma_wait3A_35 = tpu.memref_slice %arg3[%add3A_18] : memref<16384xi32, #tpu.memory_space<hbm>> -> memref<128xi32, #tpu.memory_space<hbm>>
      %dma_wait3A_36 = tpu.memref_slice %arg3[%add3A_18] : memref<16384xi32, #tpu.memory_space<hbm>> -> memref<128xi32, #tpu.memory_space<hbm>>
      tpu.wait_dma2 semaphore(%run_scoped3A : memref<!tpu.dma_semaphore, #tpu.memory_space<semaphore_mem>>) src(%dma_wait3A_36 : memref<128xi32, #tpu.memory_space<hbm>>) dst(%arg5 : memref<128xi32, #tpu.memory_space<vmem>>)
      tpu.yield
    }) : () -> ()
    %dma_start3A_19 = arith.constant 0 : i32
    %dma_start3A_20 = arith.constant 0 : i32
    %dma_start3A_21 = tpu.memref_slice %arg2[%dma_start3A_19, %dma_start3A_20] : memref<4096x768xf32, #tpu.memory_space<hbm>> -> memref<4096x768xf32, #tpu.memory_space<hbm>>
    tpu.enqueue_indirect_dma source(%dma_start3A_21 : memref<4096x768xf32, #tpu.memory_space<hbm>>) target(%arg6 : memref<128x768xf32, #tpu.memory_space<vmem>>) offsets(%arg5 : memref<128xi32, #tpu.memory_space<vmem>>) semaphore(%arg7 : memref<!tpu.dma_semaphore, #tpu.memory_space<semaphore_mem>>)
    %dma_wait3A_22 = arith.constant 0 : i32
    %dma_wait3A_23 = arith.constant 0 : i32
    %dma_wait3A_24 = tpu.memref_slice %arg2[%dma_wait3A_22, %dma_wait3A_23] : memref<4096x768xf32, #tpu.memory_space<hbm>> -> memref<4096x768xf32, #tpu.memory_space<hbm>>
    tpu.wait_indirect_dma semaphore(%arg7 : memref<!tpu.dma_semaphore, #tpu.memory_space<semaphore_mem>>) src(%dma_wait3A_24 : memref<4096x768xf32, #tpu.memory_space<hbm>>) dst(%arg6 : memref<128x768xf32, #tpu.memory_space<vmem>>)
    "tpu.region"() ({
      %run_scoped3A = tpu.sem_alloc : memref<!tpu.dma_semaphore, #tpu.memory_space<semaphore_mem>>
      %dma_start3A_33 = arith.constant 0 : i32
      %dma_start3A_34 = tpu.memref_slice %arg4[%add3A_18, %dma_start3A_33] : memref<16384x768xf32, #tpu.memory_space<hbm>> -> memref<128x768xf32, #tpu.memory_space<hbm>>
      %dma_start3A_35 = arith.constant 0 : i32
      %dma_start3A_36 = tpu.memref_slice %arg4[%add3A_18, %dma_start3A_35] : memref<16384x768xf32, #tpu.memory_space<hbm>> -> memref<128x768xf32, #tpu.memory_space<hbm>>
      tpu.enqueue_dma source(%arg6 : memref<128x768xf32, #tpu.memory_space<vmem>>) target(%dma_start3A_36 : memref<128x768xf32, #tpu.memory_space<hbm>>) target_semaphore(%run_scoped3A : memref<!tpu.dma_semaphore, #tpu.memory_space<semaphore_mem>>)
      %dma_wait3A_37 = arith.constant 0 : i32
      %dma_wait3A_38 = tpu.memref_slice %arg4[%add3A_18, %dma_wait3A_37] : memref<16384x768xf32, #tpu.memory_space<hbm>> -> memref<128x768xf32, #tpu.memory_space<hbm>>
      %dma_wait3A_39 = arith.constant 0 : i32
      %dma_wait3A_40 = tpu.memref_slice %arg4[%add3A_18, %dma_wait3A_39] : memref<16384x768xf32, #tpu.memory_space<hbm>> -> memref<128x768xf32, #tpu.memory_space<hbm>>
      tpu.wait_dma2 semaphore(%run_scoped3A : memref<!tpu.dma_semaphore, #tpu.memory_space<semaphore_mem>>) src(%arg6 : memref<128x768xf32, #tpu.memory_space<vmem>>) dst(%dma_wait3A_40 : memref<128x768xf32, #tpu.memory_space<hbm>>)
      tpu.yield
    }) : () -> ()
    %add3A_25 = arith.constant 384 : i32
    %add3A_26 = arith.addi %mul3A_2, %add3A_25 : i32
    "tpu.region"() ({
      %run_scoped3A = tpu.sem_alloc : memref<!tpu.dma_semaphore, #tpu.memory_space<semaphore_mem>>
      %dma_start3A_33 = tpu.memref_slice %arg3[%add3A_26] : memref<16384xi32, #tpu.memory_space<hbm>> -> memref<128xi32, #tpu.memory_space<hbm>>
      %dma_start3A_34 = tpu.memref_slice %arg3[%add3A_26] : memref<16384xi32, #tpu.memory_space<hbm>> -> memref<128xi32, #tpu.memory_space<hbm>>
      tpu.enqueue_dma source(%dma_start3A_34 : memref<128xi32, #tpu.memory_space<hbm>>) target(%arg5 : memref<128xi32, #tpu.memory_space<vmem>>) target_semaphore(%run_scoped3A : memref<!tpu.dma_semaphore, #tpu.memory_space<semaphore_mem>>)
      %dma_wait3A_35 = tpu.memref_slice %arg3[%add3A_26] : memref<16384xi32, #tpu.memory_space<hbm>> -> memref<128xi32, #tpu.memory_space<hbm>>
      %dma_wait3A_36 = tpu.memref_slice %arg3[%add3A_26] : memref<16384xi32, #tpu.memory_space<hbm>> -> memref<128xi32, #tpu.memory_space<hbm>>
      tpu.wait_dma2 semaphore(%run_scoped3A : memref<!tpu.dma_semaphore, #tpu.memory_space<semaphore_mem>>) src(%dma_wait3A_36 : memref<128xi32, #tpu.memory_space<hbm>>) dst(%arg5 : memref<128xi32, #tpu.memory_space<vmem>>)
      tpu.yield
    }) : () -> ()
    %dma_start3A_27 = arith.constant 0 : i32
    %dma_start3A_28 = arith.constant 0 : i32
    %dma_start3A_29 = tpu.memref_slice %arg2[%dma_start3A_27, %dma_start3A_28] : memref<4096x768xf32, #tpu.memory_space<hbm>> -> memref<4096x768xf32, #tpu.memory_space<hbm>>
    tpu.enqueue_indirect_dma source(%dma_start3A_29 : memref<4096x768xf32, #tpu.memory_space<hbm>>) target(%arg6 : memref<128x768xf32, #tpu.memory_space<vmem>>) offsets(%arg5 : memref<128xi32, #tpu.memory_space<vmem>>) semaphore(%arg7 : memref<!tpu.dma_semaphore, #tpu.memory_space<semaphore_mem>>)
    %dma_wait3A_30 = arith.constant 0 : i32
    %dma_wait3A_31 = arith.constant 0 : i32
    %dma_wait3A_32 = tpu.memref_slice %arg2[%dma_wait3A_30, %dma_wait3A_31] : memref<4096x768xf32, #tpu.memory_space<hbm>> -> memref<4096x768xf32, #tpu.memory_space<hbm>>
    tpu.wait_indirect_dma semaphore(%arg7 : memref<!tpu.dma_semaphore, #tpu.memory_space<semaphore_mem>>) src(%dma_wait3A_32 : memref<4096x768xf32, #tpu.memory_space<hbm>>) dst(%arg6 : memref<128x768xf32, #tpu.memory_space<vmem>>)
    "tpu.region"() ({
      %run_scoped3A = tpu.sem_alloc : memref<!tpu.dma_semaphore, #tpu.memory_space<semaphore_mem>>
      %dma_start3A_33 = arith.constant 0 : i32
      %dma_start3A_34 = tpu.memref_slice %arg4[%add3A_26, %dma_start3A_33] : memref<16384x768xf32, #tpu.memory_space<hbm>> -> memref<128x768xf32, #tpu.memory_space<hbm>>
      %dma_start3A_35 = arith.constant 0 : i32
      %dma_start3A_36 = tpu.memref_slice %arg4[%add3A_26, %dma_start3A_35] : memref<16384x768xf32, #tpu.memory_space<hbm>> -> memref<128x768xf32, #tpu.memory_space<hbm>>
      tpu.enqueue_dma source(%arg6 : memref<128x768xf32, #tpu.memory_space<vmem>>) target(%dma_start3A_36 : memref<128x768xf32, #tpu.memory_space<hbm>>) target_semaphore(%run_scoped3A : memref<!tpu.dma_semaphore, #tpu.memory_space<semaphore_mem>>)
      %dma_wait3A_37 = arith.constant 0 : i32
      %dma_wait3A_38 = tpu.memref_slice %arg4[%add3A_26, %dma_wait3A_37] : memref<16384x768xf32, #tpu.memory_space<hbm>> -> memref<128x768xf32, #tpu.memory_space<hbm>>
      %dma_wait3A_39 = arith.constant 0 : i32
      %dma_wait3A_40 = tpu.memref_slice %arg4[%add3A_26, %dma_wait3A_39] : memref<16384x768xf32, #tpu.memory_space<hbm>> -> memref<128x768xf32, #tpu.memory_space<hbm>>
      tpu.wait_dma2 semaphore(%run_scoped3A : memref<!tpu.dma_semaphore, #tpu.memory_space<semaphore_mem>>) src(%arg6 : memref<128x768xf32, #tpu.memory_space<vmem>>) dst(%dma_wait3A_40 : memref<128x768xf32, #tpu.memory_space<hbm>>)
      tpu.yield
    }) : () -> ()
    return
  }
}

module attributes {stable_mosaic.version = 14 : i64} {
  func.func @_attn_body(%arg0: i32, %arg1: memref<2048x768xf32, #tpu.memory_space<vmem>>, %arg2: memref<1x768x64xf32, #tpu.memory_space<vmem>>, %arg3: memref<1x768x64xf32, #tpu.memory_space<vmem>>, %arg4: memref<1x768x64xf32, #tpu.memory_space<vmem>>, %arg5: memref<1x1x64xf32, #tpu.memory_space<vmem>>, %arg6: memref<1x1x64xf32, #tpu.memory_space<vmem>>, %arg7: memref<1x1x64xf32, #tpu.memory_space<vmem>>, %arg8: memref<1x2048x64xf32, #tpu.memory_space<vmem>>) attributes {dimension_semantics = [#tpu.dimension_semantics<arbitrary>], iteration_bounds = array<i64: 12>, scalar_prefetch = 0 : i64, scratch_operands = 0 : i64, tpu.core_type = #tpu.core_type<tc>, window_params = [{pipeline_mode = #tpu.pipeline_mode<synchronous>, transform_indices = @transform_0, window_bounds = array<i64: 2048, 768>}, {transform_indices = @transform_1, window_bounds = array<i64: 1, 768, 64>}, {transform_indices = @transform_2, window_bounds = array<i64: 1, 768, 64>}, {transform_indices = @transform_3, window_bounds = array<i64: 1, 768, 64>}, {transform_indices = @transform_4, window_bounds = array<i64: 1, 1, 64>}, {transform_indices = @transform_5, window_bounds = array<i64: 1, 1, 64>}, {transform_indices = @transform_6, window_bounds = array<i64: 1, 1, 64>}, {transform_indices = @transform_7, window_bounds = array<i64: 1, 2048, 64>}]} {
    %get3A = arith.constant 0 : index
    %get3A_0 = arith.constant 0 : index
    %get3A_1 = vector.load %arg1[%get3A, %get3A_0] : memref<2048x768xf32, #tpu.memory_space<vmem>>, vector<2048x768xf32>
    %get3A_2 = arith.constant 0 : index
    %get3A_3 = arith.constant 0 : index
    %get3A_4 = arith.constant 0 : index
    %get3A_5 = vector.load %arg2[%get3A_2, %get3A_3, %get3A_4] : memref<1x768x64xf32, #tpu.memory_space<vmem>>, vector<1x768x64xf32>
    %get3A_6 = vector.shape_cast %get3A_5 : vector<1x768x64xf32> to vector<768x64xf32>
    %get3A_7 = arith.constant 0 : index
    %get3A_8 = arith.constant 0 : index
    %get3A_9 = arith.constant 0 : index
    %get3A_10 = vector.load %arg3[%get3A_7, %get3A_8, %get3A_9] : memref<1x768x64xf32, #tpu.memory_space<vmem>>, vector<1x768x64xf32>
    %get3A_11 = vector.shape_cast %get3A_10 : vector<1x768x64xf32> to vector<768x64xf32>
    %get3A_12 = arith.constant 0 : index
    %get3A_13 = arith.constant 0 : index
    %get3A_14 = arith.constant 0 : index
    %get3A_15 = vector.load %arg4[%get3A_12, %get3A_13, %get3A_14] : memref<1x768x64xf32, #tpu.memory_space<vmem>>, vector<1x768x64xf32>
    %get3A_16 = vector.shape_cast %get3A_15 : vector<1x768x64xf32> to vector<768x64xf32>
    %convert_element_type3A = arith.truncf %get3A_6 : vector<768x64xf32> to vector<768x64xbf16>
    %convert_element_type3A_17 = arith.truncf %get3A_1 : vector<2048x768xf32> to vector<2048x768xbf16>
    %dot_general3A = arith.constant dense<0.000000e+00> : vector<64x2048xf32>
    %dot_general3A_18 = tpu.matmul %convert_element_type3A, %convert_element_type3A_17, %dot_general3A {dimension_numbers = #tpu.dot_dimension_numbers<[0], [1], [1], [0], [0, 1, 1, 0], [], []>, transpose_lhs_hint = false} : vector<768x64xbf16>, vector<2048x768xbf16>, vector<64x2048xf32> -> vector<64x2048xf32>
    %transpose3A = tpu.transpose %dot_general3A_18, [1, 0] : vector<64x2048xf32> -> vector<2048x64xf32>
    %get3A_19 = arith.constant 0 : index
    %get3A_20 = arith.constant 0 : index
    %get3A_21 = arith.constant 0 : index
    %get3A_22 = vector.load %arg5[%get3A_19, %get3A_20, %get3A_21] : memref<1x1x64xf32, #tpu.memory_space<vmem>>, vector<1x1x64xf32>
    %get3A_23 = vector.shape_cast %get3A_22 : vector<1x1x64xf32> to vector<1x64xf32>
    %add3A = vector.broadcast %get3A_23 : vector<1x64xf32> to vector<2048x64xf32>
    %add3A_24 = arith.addf %transpose3A, %add3A : vector<2048x64xf32>
    %convert_element_type3A_25 = arith.truncf %get3A_11 : vector<768x64xf32> to vector<768x64xbf16>
    %convert_element_type3A_26 = arith.truncf %get3A_1 : vector<2048x768xf32> to vector<2048x768xbf16>
    %dot_general3A_27 = arith.constant dense<0.000000e+00> : vector<64x2048xf32>
    %dot_general3A_28 = tpu.matmul %convert_element_type3A_25, %convert_element_type3A_26, %dot_general3A_27 {dimension_numbers = #tpu.dot_dimension_numbers<[0], [1], [1], [0], [0, 1, 1, 0], [], []>, transpose_lhs_hint = false} : vector<768x64xbf16>, vector<2048x768xbf16>, vector<64x2048xf32> -> vector<64x2048xf32>
    %transpose3A_29 = tpu.transpose %dot_general3A_28, [1, 0] : vector<64x2048xf32> -> vector<2048x64xf32>
    %get3A_30 = arith.constant 0 : index
    %get3A_31 = arith.constant 0 : index
    %get3A_32 = arith.constant 0 : index
    %get3A_33 = vector.load %arg6[%get3A_30, %get3A_31, %get3A_32] : memref<1x1x64xf32, #tpu.memory_space<vmem>>, vector<1x1x64xf32>
    %get3A_34 = vector.shape_cast %get3A_33 : vector<1x1x64xf32> to vector<1x64xf32>
    %add3A_35 = vector.broadcast %get3A_34 : vector<1x64xf32> to vector<2048x64xf32>
    %add3A_36 = arith.addf %transpose3A_29, %add3A_35 : vector<2048x64xf32>
    %convert_element_type3A_37 = arith.truncf %get3A_16 : vector<768x64xf32> to vector<768x64xbf16>
    %convert_element_type3A_38 = arith.truncf %get3A_1 : vector<2048x768xf32> to vector<2048x768xbf16>
    %dot_general3A_39 = arith.constant dense<0.000000e+00> : vector<64x2048xf32>
    %dot_general3A_40 = tpu.matmul %convert_element_type3A_37, %convert_element_type3A_38, %dot_general3A_39 {dimension_numbers = #tpu.dot_dimension_numbers<[0], [1], [1], [0], [0, 1, 1, 0], [], []>, transpose_lhs_hint = false} : vector<768x64xbf16>, vector<2048x768xbf16>, vector<64x2048xf32> -> vector<64x2048xf32>
    %transpose3A_41 = tpu.transpose %dot_general3A_40, [1, 0] : vector<64x2048xf32> -> vector<2048x64xf32>
    %get3A_42 = arith.constant 0 : index
    %get3A_43 = arith.constant 0 : index
    %get3A_44 = arith.constant 0 : index
    %get3A_45 = vector.load %arg7[%get3A_42, %get3A_43, %get3A_44] : memref<1x1x64xf32, #tpu.memory_space<vmem>>, vector<1x1x64xf32>
    %get3A_46 = vector.shape_cast %get3A_45 : vector<1x1x64xf32> to vector<1x64xf32>
    %add3A_47 = vector.broadcast %get3A_46 : vector<1x64xf32> to vector<2048x64xf32>
    %add3A_48 = arith.addf %transpose3A_41, %add3A_47 : vector<2048x64xf32>
    %broadcast_in_dim3A = arith.constant 0xFF800000 : f32
    %broadcast_in_dim3A_49 = vector.broadcast %broadcast_in_dim3A : f32 to vector<2048x1xf32>
    %broadcast_in_dim3A_50 = arith.constant 0.000000e+00 : f32
    %broadcast_in_dim3A_51 = vector.broadcast %broadcast_in_dim3A_50 : f32 to vector<2048x1xf32>
    %broadcast_in_dim3A_52 = arith.constant 0.000000e+00 : f32
    %broadcast_in_dim3A_53 = vector.broadcast %broadcast_in_dim3A_52 : f32 to vector<2048x64xf32>
    %slice3A = vector.extract_strided_slice %add3A_36 {offsets = [0, 0], sizes = [1024, 64], strides = [1, 1]} : vector<2048x64xf32> to vector<1024x64xf32>
    %slice3A_54 = vector.extract_strided_slice %add3A_48 {offsets = [0, 0], sizes = [1024, 64], strides = [1, 1]} : vector<2048x64xf32> to vector<1024x64xf32>
    %convert_element_type3A_55 = arith.truncf %add3A_24 : vector<2048x64xf32> to vector<2048x64xbf16>
    %convert_element_type3A_56 = arith.truncf %slice3A : vector<1024x64xf32> to vector<1024x64xbf16>
    %dot_general3A_57 = arith.constant dense<0.000000e+00> : vector<2048x1024xf32>
    %dot_general3A_58 = tpu.matmul %convert_element_type3A_55, %convert_element_type3A_56, %dot_general3A_57 {dimension_numbers = #tpu.dot_dimension_numbers<[1], [1], [0], [0], [0, 0, 1, 0], [], []>, transpose_lhs_hint = false} : vector<2048x64xbf16>, vector<1024x64xbf16>, vector<2048x1024xf32> -> vector<2048x1024xf32>
    %mul3A = arith.constant 1.250000e-01 : f32
    %mul3A_59 = vector.broadcast %mul3A : f32 to vector<2048x1024xf32>
    %mul3A_60 = arith.mulf %dot_general3A_58, %mul3A_59 : vector<2048x1024xf32>
    %reduce_max3A = arith.constant dense<0xFF800000> : vector<2048xf32>
    %reduce_max3A_61 = vector.multi_reduction <maximumf>, %mul3A_60, %reduce_max3A [1] : vector<2048x1024xf32> to vector<2048xf32>
    %broadcast_in_dim3A_62 = vector.shape_cast %reduce_max3A_61 : vector<2048xf32> to vector<2048x1xf32>
    %max3A = arith.maximumf %broadcast_in_dim3A_49, %broadcast_in_dim3A_62 : vector<2048x1xf32>
    %eq3A = arith.cmpf oeq, %broadcast_in_dim3A_49, %max3A : vector<2048x1xf32>
    %sub3A = arith.subf %broadcast_in_dim3A_49, %max3A : vector<2048x1xf32>
    %jit3A = arith.constant 0.000000e+00 : f32
    %broadcast_in_dim3A_63 = vector.broadcast %jit3A : f32 to vector<2048x1xf32>
    %select_n3A = arith.select %eq3A, %broadcast_in_dim3A_63, %sub3A : vector<2048x1xi1>, vector<2048x1xf32>
    %sub3A_64 = vector.broadcast %max3A : vector<2048x1xf32> to vector<2048x1024xf32>
    %sub3A_65 = arith.subf %mul3A_60, %sub3A_64 : vector<2048x1024xf32>
    %exp3A = math.exp %sub3A_65 : vector<2048x1024xf32>
    %reduce_sum3A = arith.constant dense<0.000000e+00> : vector<2048xf32>
    %reduce_sum3A_66 = vector.multi_reduction <add>, %exp3A, %reduce_sum3A [1] : vector<2048x1024xf32> to vector<2048xf32>
    %broadcast_in_dim3A_67 = vector.shape_cast %reduce_sum3A_66 : vector<2048xf32> to vector<2048x1xf32>
    %exp3A_68 = math.exp %select_n3A : vector<2048x1xf32>
    %mul3A_69 = arith.mulf %exp3A_68, %broadcast_in_dim3A_51 : vector<2048x1xf32>
    %add3A_70 = arith.addf %mul3A_69, %broadcast_in_dim3A_67 : vector<2048x1xf32>
    %slice3A_71 = vector.extract_strided_slice %exp3A {offsets = [0, 0], sizes = [2048, 256], strides = [1, 1]} : vector<2048x1024xf32> to vector<2048x256xf32>
    %slice3A_72 = vector.extract_strided_slice %slice3A_54 {offsets = [0, 0], sizes = [256, 64], strides = [1, 1]} : vector<1024x64xf32> to vector<256x64xf32>
    %convert_element_type3A_73 = arith.truncf %slice3A_71 : vector<2048x256xf32> to vector<2048x256xbf16>
    %convert_element_type3A_74 = arith.truncf %slice3A_72 : vector<256x64xf32> to vector<256x64xbf16>
    %dot_general3A_75 = arith.constant dense<0.000000e+00> : vector<2048x64xf32>
    %dot_general3A_76 = tpu.matmul %convert_element_type3A_73, %convert_element_type3A_74, %dot_general3A_75 {dimension_numbers = #tpu.dot_dimension_numbers<[1], [0], [0], [1], [0, 0, 1, 1], [], []>, transpose_lhs_hint = false} : vector<2048x256xbf16>, vector<256x64xbf16>, vector<2048x64xf32> -> vector<2048x64xf32>
    %slice3A_77 = vector.extract_strided_slice %exp3A {offsets = [0, 256], sizes = [2048, 256], strides = [1, 1]} : vector<2048x1024xf32> to vector<2048x256xf32>
    %slice3A_78 = vector.extract_strided_slice %slice3A_54 {offsets = [256, 0], sizes = [256, 64], strides = [1, 1]} : vector<1024x64xf32> to vector<256x64xf32>
    %convert_element_type3A_79 = arith.truncf %slice3A_77 : vector<2048x256xf32> to vector<2048x256xbf16>
    %convert_element_type3A_80 = arith.truncf %slice3A_78 : vector<256x64xf32> to vector<256x64xbf16>
    %dot_general3A_81 = arith.constant dense<0.000000e+00> : vector<2048x64xf32>
    %dot_general3A_82 = tpu.matmul %convert_element_type3A_79, %convert_element_type3A_80, %dot_general3A_81 {dimension_numbers = #tpu.dot_dimension_numbers<[1], [0], [0], [1], [0, 0, 1, 1], [], []>, transpose_lhs_hint = false} : vector<2048x256xbf16>, vector<256x64xbf16>, vector<2048x64xf32> -> vector<2048x64xf32>
    %slice3A_83 = vector.extract_strided_slice %exp3A {offsets = [0, 512], sizes = [2048, 256], strides = [1, 1]} : vector<2048x1024xf32> to vector<2048x256xf32>
    %slice3A_84 = vector.extract_strided_slice %slice3A_54 {offsets = [512, 0], sizes = [256, 64], strides = [1, 1]} : vector<1024x64xf32> to vector<256x64xf32>
    %convert_element_type3A_85 = arith.truncf %slice3A_83 : vector<2048x256xf32> to vector<2048x256xbf16>
    %convert_element_type3A_86 = arith.truncf %slice3A_84 : vector<256x64xf32> to vector<256x64xbf16>
    %dot_general3A_87 = arith.constant dense<0.000000e+00> : vector<2048x64xf32>
    %dot_general3A_88 = tpu.matmul %convert_element_type3A_85, %convert_element_type3A_86, %dot_general3A_87 {dimension_numbers = #tpu.dot_dimension_numbers<[1], [0], [0], [1], [0, 0, 1, 1], [], []>, transpose_lhs_hint = false} : vector<2048x256xbf16>, vector<256x64xbf16>, vector<2048x64xf32> -> vector<2048x64xf32>
    %slice3A_89 = vector.extract_strided_slice %exp3A {offsets = [0, 768], sizes = [2048, 256], strides = [1, 1]} : vector<2048x1024xf32> to vector<2048x256xf32>
    %slice3A_90 = vector.extract_strided_slice %slice3A_54 {offsets = [768, 0], sizes = [256, 64], strides = [1, 1]} : vector<1024x64xf32> to vector<256x64xf32>
    %convert_element_type3A_91 = arith.truncf %slice3A_89 : vector<2048x256xf32> to vector<2048x256xbf16>
    %convert_element_type3A_92 = arith.truncf %slice3A_90 : vector<256x64xf32> to vector<256x64xbf16>
    %dot_general3A_93 = arith.constant dense<0.000000e+00> : vector<2048x64xf32>
    %dot_general3A_94 = tpu.matmul %convert_element_type3A_91, %convert_element_type3A_92, %dot_general3A_93 {dimension_numbers = #tpu.dot_dimension_numbers<[1], [0], [0], [1], [0, 0, 1, 1], [], []>, transpose_lhs_hint = false} : vector<2048x256xbf16>, vector<256x64xbf16>, vector<2048x64xf32> -> vector<2048x64xf32>
    %mul3A_95 = vector.broadcast %mul3A_69 : vector<2048x1xf32> to vector<2048x64xf32>
    %mul3A_96 = arith.mulf %mul3A_95, %broadcast_in_dim3A_53 : vector<2048x64xf32>
    %add3A_97 = arith.addf %dot_general3A_76, %dot_general3A_82 : vector<2048x64xf32>
    %add3A_98 = arith.addf %dot_general3A_88, %dot_general3A_94 : vector<2048x64xf32>
    %add3A_99 = arith.addf %add3A_97, %add3A_98 : vector<2048x64xf32>
    %add3A_100 = arith.addf %mul3A_96, %add3A_99 : vector<2048x64xf32>
    %div3A = arith.constant 1.000000e+00 : f32
    %div3A_101 = vector.broadcast %div3A : f32 to vector<2048x1xf32>
    %div3A_102 = arith.divf %div3A_101, %add3A_70 : vector<2048x1xf32>
    %mul3A_103 = vector.broadcast %div3A_102 : vector<2048x1xf32> to vector<2048x64xf32>
    %mul3A_104 = arith.mulf %add3A_100, %mul3A_103 : vector<2048x64xf32>
    %slice3A_105 = vector.extract_strided_slice %add3A_36 {offsets = [1024, 0], sizes = [1024, 64], strides = [1, 1]} : vector<2048x64xf32> to vector<1024x64xf32>
    %slice3A_106 = vector.extract_strided_slice %add3A_48 {offsets = [1024, 0], sizes = [1024, 64], strides = [1, 1]} : vector<2048x64xf32> to vector<1024x64xf32>
    %convert_element_type3A_107 = arith.truncf %add3A_24 : vector<2048x64xf32> to vector<2048x64xbf16>
    %convert_element_type3A_108 = arith.truncf %slice3A_105 : vector<1024x64xf32> to vector<1024x64xbf16>
    %dot_general3A_109 = arith.constant dense<0.000000e+00> : vector<2048x1024xf32>
    %dot_general3A_110 = tpu.matmul %convert_element_type3A_107, %convert_element_type3A_108, %dot_general3A_109 {dimension_numbers = #tpu.dot_dimension_numbers<[1], [1], [0], [0], [0, 0, 1, 0], [], []>, transpose_lhs_hint = false} : vector<2048x64xbf16>, vector<1024x64xbf16>, vector<2048x1024xf32> -> vector<2048x1024xf32>
    %mul3A_111 = arith.constant 1.250000e-01 : f32
    %mul3A_112 = vector.broadcast %mul3A_111 : f32 to vector<2048x1024xf32>
    %mul3A_113 = arith.mulf %dot_general3A_110, %mul3A_112 : vector<2048x1024xf32>
    %reduce_max3A_114 = arith.constant dense<0xFF800000> : vector<2048xf32>
    %reduce_max3A_115 = vector.multi_reduction <maximumf>, %mul3A_113, %reduce_max3A_114 [1] : vector<2048x1024xf32> to vector<2048xf32>
    %broadcast_in_dim3A_116 = vector.shape_cast %reduce_max3A_115 : vector<2048xf32> to vector<2048x1xf32>
    %max3A_117 = arith.maximumf %max3A, %broadcast_in_dim3A_116 : vector<2048x1xf32>
    %eq3A_118 = arith.cmpf oeq, %max3A, %max3A_117 : vector<2048x1xf32>
    %sub3A_119 = arith.subf %max3A, %max3A_117 : vector<2048x1xf32>
    %jit3A_120 = arith.constant 0.000000e+00 : f32
    %broadcast_in_dim3A_121 = vector.broadcast %jit3A_120 : f32 to vector<2048x1xf32>
    %select_n3A_122 = arith.select %eq3A_118, %broadcast_in_dim3A_121, %sub3A_119 : vector<2048x1xi1>, vector<2048x1xf32>
    %sub3A_123 = vector.broadcast %max3A_117 : vector<2048x1xf32> to vector<2048x1024xf32>
    %sub3A_124 = arith.subf %mul3A_113, %sub3A_123 : vector<2048x1024xf32>
    %exp3A_125 = math.exp %sub3A_124 : vector<2048x1024xf32>
    %reduce_sum3A_126 = arith.constant dense<0.000000e+00> : vector<2048xf32>
    %reduce_sum3A_127 = vector.multi_reduction <add>, %exp3A_125, %reduce_sum3A_126 [1] : vector<2048x1024xf32> to vector<2048xf32>
    %broadcast_in_dim3A_128 = vector.shape_cast %reduce_sum3A_127 : vector<2048xf32> to vector<2048x1xf32>
    %exp3A_129 = math.exp %select_n3A_122 : vector<2048x1xf32>
    %mul3A_130 = arith.mulf %exp3A_129, %add3A_70 : vector<2048x1xf32>
    %add3A_131 = arith.addf %mul3A_130, %broadcast_in_dim3A_128 : vector<2048x1xf32>
    %slice3A_132 = vector.extract_strided_slice %exp3A_125 {offsets = [0, 0], sizes = [2048, 256], strides = [1, 1]} : vector<2048x1024xf32> to vector<2048x256xf32>
    %slice3A_133 = vector.extract_strided_slice %slice3A_106 {offsets = [0, 0], sizes = [256, 64], strides = [1, 1]} : vector<1024x64xf32> to vector<256x64xf32>
    %convert_element_type3A_134 = arith.truncf %slice3A_132 : vector<2048x256xf32> to vector<2048x256xbf16>
    %convert_element_type3A_135 = arith.truncf %slice3A_133 : vector<256x64xf32> to vector<256x64xbf16>
    %dot_general3A_136 = arith.constant dense<0.000000e+00> : vector<2048x64xf32>
    %dot_general3A_137 = tpu.matmul %convert_element_type3A_134, %convert_element_type3A_135, %dot_general3A_136 {dimension_numbers = #tpu.dot_dimension_numbers<[1], [0], [0], [1], [0, 0, 1, 1], [], []>, transpose_lhs_hint = false} : vector<2048x256xbf16>, vector<256x64xbf16>, vector<2048x64xf32> -> vector<2048x64xf32>
    %slice3A_138 = vector.extract_strided_slice %exp3A_125 {offsets = [0, 256], sizes = [2048, 256], strides = [1, 1]} : vector<2048x1024xf32> to vector<2048x256xf32>
    %slice3A_139 = vector.extract_strided_slice %slice3A_106 {offsets = [256, 0], sizes = [256, 64], strides = [1, 1]} : vector<1024x64xf32> to vector<256x64xf32>
    %convert_element_type3A_140 = arith.truncf %slice3A_138 : vector<2048x256xf32> to vector<2048x256xbf16>
    %convert_element_type3A_141 = arith.truncf %slice3A_139 : vector<256x64xf32> to vector<256x64xbf16>
    %dot_general3A_142 = arith.constant dense<0.000000e+00> : vector<2048x64xf32>
    %dot_general3A_143 = tpu.matmul %convert_element_type3A_140, %convert_element_type3A_141, %dot_general3A_142 {dimension_numbers = #tpu.dot_dimension_numbers<[1], [0], [0], [1], [0, 0, 1, 1], [], []>, transpose_lhs_hint = false} : vector<2048x256xbf16>, vector<256x64xbf16>, vector<2048x64xf32> -> vector<2048x64xf32>
    %slice3A_144 = vector.extract_strided_slice %exp3A_125 {offsets = [0, 512], sizes = [2048, 256], strides = [1, 1]} : vector<2048x1024xf32> to vector<2048x256xf32>
    %slice3A_145 = vector.extract_strided_slice %slice3A_106 {offsets = [512, 0], sizes = [256, 64], strides = [1, 1]} : vector<1024x64xf32> to vector<256x64xf32>
    %convert_element_type3A_146 = arith.truncf %slice3A_144 : vector<2048x256xf32> to vector<2048x256xbf16>
    %convert_element_type3A_147 = arith.truncf %slice3A_145 : vector<256x64xf32> to vector<256x64xbf16>
    %dot_general3A_148 = arith.constant dense<0.000000e+00> : vector<2048x64xf32>
    %dot_general3A_149 = tpu.matmul %convert_element_type3A_146, %convert_element_type3A_147, %dot_general3A_148 {dimension_numbers = #tpu.dot_dimension_numbers<[1], [0], [0], [1], [0, 0, 1, 1], [], []>, transpose_lhs_hint = false} : vector<2048x256xbf16>, vector<256x64xbf16>, vector<2048x64xf32> -> vector<2048x64xf32>
    %slice3A_150 = vector.extract_strided_slice %exp3A_125 {offsets = [0, 768], sizes = [2048, 256], strides = [1, 1]} : vector<2048x1024xf32> to vector<2048x256xf32>
    %slice3A_151 = vector.extract_strided_slice %slice3A_106 {offsets = [768, 0], sizes = [256, 64], strides = [1, 1]} : vector<1024x64xf32> to vector<256x64xf32>
    %convert_element_type3A_152 = arith.truncf %slice3A_150 : vector<2048x256xf32> to vector<2048x256xbf16>
    %convert_element_type3A_153 = arith.truncf %slice3A_151 : vector<256x64xf32> to vector<256x64xbf16>
    %dot_general3A_154 = arith.constant dense<0.000000e+00> : vector<2048x64xf32>
    %dot_general3A_155 = tpu.matmul %convert_element_type3A_152, %convert_element_type3A_153, %dot_general3A_154 {dimension_numbers = #tpu.dot_dimension_numbers<[1], [0], [0], [1], [0, 0, 1, 1], [], []>, transpose_lhs_hint = false} : vector<2048x256xbf16>, vector<256x64xbf16>, vector<2048x64xf32> -> vector<2048x64xf32>
    %mul3A_156 = vector.broadcast %mul3A_130 : vector<2048x1xf32> to vector<2048x64xf32>
    %mul3A_157 = arith.mulf %mul3A_156, %mul3A_104 : vector<2048x64xf32>
    %add3A_158 = arith.addf %dot_general3A_137, %dot_general3A_143 : vector<2048x64xf32>
    %add3A_159 = arith.addf %dot_general3A_149, %dot_general3A_155 : vector<2048x64xf32>
    %add3A_160 = arith.addf %add3A_158, %add3A_159 : vector<2048x64xf32>
    %add3A_161 = arith.addf %mul3A_157, %add3A_160 : vector<2048x64xf32>
    %div3A_162 = arith.constant 1.000000e+00 : f32
    %div3A_163 = vector.broadcast %div3A_162 : f32 to vector<2048x1xf32>
    %div3A_164 = arith.divf %div3A_163, %add3A_131 : vector<2048x1xf32>
    %mul3A_165 = vector.broadcast %div3A_164 : vector<2048x1xf32> to vector<2048x64xf32>
    %mul3A_166 = arith.mulf %add3A_161, %mul3A_165 : vector<2048x64xf32>
    %swap3A = arith.constant 0 : index
    %swap3A_167 = arith.constant 0 : index
    %swap3A_168 = arith.constant 0 : index
    %swap3A_169 = vector.load %arg8[%swap3A, %swap3A_167, %swap3A_168] : memref<1x2048x64xf32, #tpu.memory_space<vmem>>, vector<1x2048x64xf32>
    %swap3A_170 = vector.shape_cast %swap3A_169 : vector<1x2048x64xf32> to vector<2048x64xf32>
    %swap3A_171 = vector.shape_cast %mul3A_166 : vector<2048x64xf32> to vector<1x2048x64xf32>
    tpu.vector_store %arg8[%swap3A, %swap3A_167, %swap3A_168], %swap3A_171 {strides = array<i32>} : memref<1x2048x64xf32, #tpu.memory_space<vmem>>, vector<1x2048x64xf32>,
    return
  }
  func.func @transform_0(%arg0: i32) -> (i32, i32) {
    %c0_i32 = arith.constant 0 : i32
    %c0_i32_0 = arith.constant 0 : i32
    %c0_i32_1 = arith.constant 0 : i32
    return %c0_i32, %c0_i32_0 : i32, i32
  }
  func.func @transform_1(%arg0: i32) -> (i32, i32, i32) {
    %c0_i32 = arith.constant 0 : i32
    %c0_i32_0 = arith.constant 0 : i32
    %c0_i32_1 = arith.constant 0 : i32
    return %arg0, %c0_i32, %c0_i32_0 : i32, i32, i32
  }
  func.func @transform_2(%arg0: i32) -> (i32, i32, i32) {
    %c0_i32 = arith.constant 0 : i32
    %c0_i32_0 = arith.constant 0 : i32
    %c0_i32_1 = arith.constant 0 : i32
    return %arg0, %c0_i32, %c0_i32_0 : i32, i32, i32
  }
  func.func @transform_3(%arg0: i32) -> (i32, i32, i32) {
    %c0_i32 = arith.constant 0 : i32
    %c0_i32_0 = arith.constant 0 : i32
    %c0_i32_1 = arith.constant 0 : i32
    return %arg0, %c0_i32, %c0_i32_0 : i32, i32, i32
  }
  func.func @transform_4(%arg0: i32) -> (i32, i32, i32) {
    %c0_i32 = arith.constant 0 : i32
    %c0_i32_0 = arith.constant 0 : i32
    %c0_i32_1 = arith.constant 0 : i32
    return %arg0, %c0_i32, %c0_i32_0 : i32, i32, i32
  }
  func.func @transform_5(%arg0: i32) -> (i32, i32, i32) {
    %c0_i32 = arith.constant 0 : i32
    %c0_i32_0 = arith.constant 0 : i32
    %c0_i32_1 = arith.constant 0 : i32
    return %arg0, %c0_i32, %c0_i32_0 : i32, i32, i32
  }
  func.func @transform_6(%arg0: i32) -> (i32, i32, i32) {
    %c0_i32 = arith.constant 0 : i32
    %c0_i32_0 = arith.constant 0 : i32
    %c0_i32_1 = arith.constant 0 : i32
    return %arg0, %c0_i32, %c0_i32_0 : i32, i32, i32
  }
  func.func @transform_7(%arg0: i32) -> (i32, i32, i32) {
    %c0_i32 = arith.constant 0 : i32
    %c0_i32_0 = arith.constant 0 : i32
    %c0_i32_1 = arith.constant 0 : i32
    return %arg0, %c0_i32, %c0_i32_0 : i32, i32, i32
  }
}

module attributes {stable_mosaic.version = 14 : i64} {
  func.func @_score_body(%arg0: i32, %arg1: memref<256x768xf32, #tpu.memory_space<vmem>>, %arg2: memref<256x768xf32, #tpu.memory_space<vmem>>, %arg3: memref<4096x768xf32, #tpu.memory_space<vmem>>, %arg4: memref<1536x2xf32, #tpu.memory_space<vmem>>, %arg5: memref<1x2xf32, #tpu.memory_space<vmem>>, %arg6: memref<256x8xi32, #tpu.memory_space<vmem>>, %arg7: memref<256x8xf32, #tpu.memory_space<vmem>>) attributes {dimension_semantics = [#tpu.dimension_semantics<arbitrary>], iteration_bounds = array<i64: 8>, scalar_prefetch = 0 : i64, scratch_operands = 0 : i64, tpu.core_type = #tpu.core_type<tc>, window_params = [{transform_indices = @transform_0, window_bounds = array<i64: 256, 768>}, {transform_indices = @transform_1, window_bounds = array<i64: 256, 768>}, {pipeline_mode = #tpu.pipeline_mode<synchronous>, transform_indices = @transform_2, window_bounds = array<i64: 4096, 768>}, {pipeline_mode = #tpu.pipeline_mode<synchronous>, transform_indices = @transform_3, window_bounds = array<i64: 1536, 2>}, {pipeline_mode = #tpu.pipeline_mode<synchronous>, transform_indices = @transform_4, window_bounds = array<i64: 1, 2>}, {transform_indices = @transform_5, window_bounds = array<i64: 256, 8>}, {transform_indices = @transform_6, window_bounds = array<i64: 256, 8>}]} {
    %get3A = arith.constant 0 : index
    %get3A_0 = arith.constant 0 : index
    %get3A_1 = vector.load %arg1[%get3A, %get3A_0] : memref<256x768xf32, #tpu.memory_space<vmem>>, vector<256x768xf32>
    %get3A_2 = arith.constant 0 : index
    %get3A_3 = arith.constant 0 : index
    %get3A_4 = vector.load %arg2[%get3A_2, %get3A_3] : memref<256x768xf32, #tpu.memory_space<vmem>>, vector<256x768xf32>
    %get3A_5 = arith.constant 0 : index
    %get3A_6 = arith.constant 0 : index
    %get3A_7 = vector.load %arg3[%get3A_5, %get3A_6] : memref<4096x768xf32, #tpu.memory_space<vmem>>, vector<4096x768xf32>
    %broadcast_in_dim3A = arith.constant 0.000000e+00 : f32
    %broadcast_in_dim3A_8 = vector.broadcast %broadcast_in_dim3A : f32 to vector<256x4096xf32>
    %slice3A = vector.extract_strided_slice %get3A_1 {offsets = [0, 0], sizes = [256, 256], strides = [1, 1]} : vector<256x768xf32> to vector<256x256xf32>
    %slice3A_9 = vector.extract_strided_slice %get3A_7 {offsets = [0, 0], sizes = [4096, 256], strides = [1, 1]} : vector<4096x768xf32> to vector<4096x256xf32>
    %convert_element_type3A = arith.truncf %slice3A : vector<256x256xf32> to vector<256x256xbf16>
    %convert_element_type3A_10 = arith.truncf %slice3A_9 : vector<4096x256xf32> to vector<4096x256xbf16>
    %dot_general3A = arith.constant dense<0.000000e+00> : vector<256x4096xf32>
    %dot_general3A_11 = tpu.matmul %convert_element_type3A, %convert_element_type3A_10, %dot_general3A {dimension_numbers = #tpu.dot_dimension_numbers<[1], [1], [0], [0], [0, 0, 1, 0], [], []>, transpose_lhs_hint = false} : vector<256x256xbf16>, vector<4096x256xbf16>, vector<256x4096xf32> -> vector<256x4096xf32>
    %add3A = arith.addf %broadcast_in_dim3A_8, %dot_general3A_11 : vector<256x4096xf32>
    %slice3A_12 = vector.extract_strided_slice %get3A_1 {offsets = [0, 256], sizes = [256, 256], strides = [1, 1]} : vector<256x768xf32> to vector<256x256xf32>
    %slice3A_13 = vector.extract_strided_slice %get3A_7 {offsets = [0, 256], sizes = [4096, 256], strides = [1, 1]} : vector<4096x768xf32> to vector<4096x256xf32>
    %convert_element_type3A_14 = arith.truncf %slice3A_12 : vector<256x256xf32> to vector<256x256xbf16>
    %convert_element_type3A_15 = arith.truncf %slice3A_13 : vector<4096x256xf32> to vector<4096x256xbf16>
    %dot_general3A_16 = arith.constant dense<0.000000e+00> : vector<256x4096xf32>
    %dot_general3A_17 = tpu.matmul %convert_element_type3A_14, %convert_element_type3A_15, %dot_general3A_16 {dimension_numbers = #tpu.dot_dimension_numbers<[1], [1], [0], [0], [0, 0, 1, 0], [], []>, transpose_lhs_hint = false} : vector<256x256xbf16>, vector<4096x256xbf16>, vector<256x4096xf32> -> vector<256x4096xf32>
    %add3A_18 = arith.addf %add3A, %dot_general3A_17 : vector<256x4096xf32>
    %slice3A_19 = vector.extract_strided_slice %get3A_1 {offsets = [0, 512], sizes = [256, 256], strides = [1, 1]} : vector<256x768xf32> to vector<256x256xf32>
    %slice3A_20 = vector.extract_strided_slice %get3A_7 {offsets = [0, 512], sizes = [4096, 256], strides = [1, 1]} : vector<4096x768xf32> to vector<4096x256xf32>
    %convert_element_type3A_21 = arith.truncf %slice3A_19 : vector<256x256xf32> to vector<256x256xbf16>
    %convert_element_type3A_22 = arith.truncf %slice3A_20 : vector<4096x256xf32> to vector<4096x256xbf16>
    %dot_general3A_23 = arith.constant dense<0.000000e+00> : vector<256x4096xf32>
    %dot_general3A_24 = tpu.matmul %convert_element_type3A_21, %convert_element_type3A_22, %dot_general3A_23 {dimension_numbers = #tpu.dot_dimension_numbers<[1], [1], [0], [0], [0, 0, 1, 0], [], []>, transpose_lhs_hint = false} : vector<256x256xbf16>, vector<4096x256xbf16>, vector<256x4096xf32> -> vector<256x4096xf32>
    %add3A_25 = arith.addf %add3A_18, %dot_general3A_24 : vector<256x4096xf32>
    %slice3A_26 = vector.extract_strided_slice %get3A_4 {offsets = [0, 0], sizes = [256, 256], strides = [1, 1]} : vector<256x768xf32> to vector<256x256xf32>
    %slice3A_27 = vector.extract_strided_slice %get3A_7 {offsets = [0, 0], sizes = [4096, 256], strides = [1, 1]} : vector<4096x768xf32> to vector<4096x256xf32>
    %convert_element_type3A_28 = arith.truncf %slice3A_26 : vector<256x256xf32> to vector<256x256xbf16>
    %convert_element_type3A_29 = arith.truncf %slice3A_27 : vector<4096x256xf32> to vector<4096x256xbf16>
    %dot_general3A_30 = arith.constant dense<0.000000e+00> : vector<256x4096xf32>
    %dot_general3A_31 = tpu.matmul %convert_element_type3A_28, %convert_element_type3A_29, %dot_general3A_30 {dimension_numbers = #tpu.dot_dimension_numbers<[1], [1], [0], [0], [0, 0, 1, 0], [], []>, transpose_lhs_hint = false} : vector<256x256xbf16>, vector<4096x256xbf16>, vector<256x4096xf32> -> vector<256x4096xf32>
    %add3A_32 = arith.addf %broadcast_in_dim3A_8, %dot_general3A_31 : vector<256x4096xf32>
    %slice3A_33 = vector.extract_strided_slice %get3A_4 {offsets = [0, 256], sizes = [256, 256], strides = [1, 1]} : vector<256x768xf32> to vector<256x256xf32>
    %slice3A_34 = vector.extract_strided_slice %get3A_7 {offsets = [0, 256], sizes = [4096, 256], strides = [1, 1]} : vector<4096x768xf32> to vector<4096x256xf32>
    %convert_element_type3A_35 = arith.truncf %slice3A_33 : vector<256x256xf32> to vector<256x256xbf16>
    %convert_element_type3A_36 = arith.truncf %slice3A_34 : vector<4096x256xf32> to vector<4096x256xbf16>
    %dot_general3A_37 = arith.constant dense<0.000000e+00> : vector<256x4096xf32>
    %dot_general3A_38 = tpu.matmul %convert_element_type3A_35, %convert_element_type3A_36, %dot_general3A_37 {dimension_numbers = #tpu.dot_dimension_numbers<[1], [1], [0], [0], [0, 0, 1, 0], [], []>, transpose_lhs_hint = false} : vector<256x256xbf16>, vector<4096x256xbf16>, vector<256x4096xf32> -> vector<256x4096xf32>
    %add3A_39 = arith.addf %add3A_32, %dot_general3A_38 : vector<256x4096xf32>
    %slice3A_40 = vector.extract_strided_slice %get3A_4 {offsets = [0, 512], sizes = [256, 256], strides = [1, 1]} : vector<256x768xf32> to vector<256x256xf32>
    %slice3A_41 = vector.extract_strided_slice %get3A_7 {offsets = [0, 512], sizes = [4096, 256], strides = [1, 1]} : vector<4096x768xf32> to vector<4096x256xf32>
    %convert_element_type3A_42 = arith.truncf %slice3A_40 : vector<256x256xf32> to vector<256x256xbf16>
    %convert_element_type3A_43 = arith.truncf %slice3A_41 : vector<4096x256xf32> to vector<4096x256xbf16>
    %dot_general3A_44 = arith.constant dense<0.000000e+00> : vector<256x4096xf32>
    %dot_general3A_45 = tpu.matmul %convert_element_type3A_42, %convert_element_type3A_43, %dot_general3A_44 {dimension_numbers = #tpu.dot_dimension_numbers<[1], [1], [0], [0], [0, 0, 1, 0], [], []>, transpose_lhs_hint = false} : vector<256x256xbf16>, vector<4096x256xbf16>, vector<256x4096xf32> -> vector<256x4096xf32>
    %add3A_46 = arith.addf %add3A_39, %dot_general3A_45 : vector<256x4096xf32>
    %concatenate3A = tpu.concatenate %get3A_1, %get3A_4 in 1 : vector<256x768xf32>, vector<256x768xf32> -> vector<256x1536xf32>
    %get3A_47 = arith.constant 0 : index
    %get3A_48 = arith.constant 0 : index
    %get3A_49 = vector.load %arg4[%get3A_47, %get3A_48] : memref<1536x2xf32, #tpu.memory_space<vmem>>, vector<1536x2xf32>
    %broadcast_in_dim3A_50 = arith.constant 0.000000e+00 : f32
    %broadcast_in_dim3A_51 = vector.broadcast %broadcast_in_dim3A_50 : f32 to vector<256x2xf32>
    %slice3A_52 = vector.extract_strided_slice %concatenate3A {offsets = [0, 0], sizes = [256, 256], strides = [1, 1]} : vector<256x1536xf32> to vector<256x256xf32>
    %slice3A_53 = vector.extract_strided_slice %get3A_49 {offsets = [0, 0], sizes = [256, 2], strides = [1, 1]} : vector<1536x2xf32> to vector<256x2xf32>
    %convert_element_type3A_54 = arith.truncf %slice3A_52 : vector<256x256xf32> to vector<256x256xbf16>
    %convert_element_type3A_55 = arith.truncf %slice3A_53 : vector<256x2xf32> to vector<256x2xbf16>
    %dot_general3A_56 = arith.constant dense<0.000000e+00> : vector<256x2xf32>
    %dot_general3A_57 = tpu.matmul %convert_element_type3A_54, %convert_element_type3A_55, %dot_general3A_56 {dimension_numbers = #tpu.dot_dimension_numbers<[1], [0], [0], [1], [0, 0, 1, 1], [], []>, transpose_lhs_hint = false} : vector<256x256xbf16>, vector<256x2xbf16>, vector<256x2xf32> -> vector<256x2xf32>
    %add3A_58 = arith.addf %broadcast_in_dim3A_51, %dot_general3A_57 : vector<256x2xf32>
    %slice3A_59 = vector.extract_strided_slice %concatenate3A {offsets = [0, 256], sizes = [256, 256], strides = [1, 1]} : vector<256x1536xf32> to vector<256x256xf32>
    %slice3A_60 = vector.extract_strided_slice %get3A_49 {offsets = [256, 0], sizes = [256, 2], strides = [1, 1]} : vector<1536x2xf32> to vector<256x2xf32>
    %convert_element_type3A_61 = arith.truncf %slice3A_59 : vector<256x256xf32> to vector<256x256xbf16>
    %convert_element_type3A_62 = arith.truncf %slice3A_60 : vector<256x2xf32> to vector<256x2xbf16>
    %dot_general3A_63 = arith.constant dense<0.000000e+00> : vector<256x2xf32>
    %dot_general3A_64 = tpu.matmul %convert_element_type3A_61, %convert_element_type3A_62, %dot_general3A_63 {dimension_numbers = #tpu.dot_dimension_numbers<[1], [0], [0], [1], [0, 0, 1, 1], [], []>, transpose_lhs_hint = false} : vector<256x256xbf16>, vector<256x2xbf16>, vector<256x2xf32> -> vector<256x2xf32>
    %add3A_65 = arith.addf %add3A_58, %dot_general3A_64 : vector<256x2xf32>
    %slice3A_66 = vector.extract_strided_slice %concatenate3A {offsets = [0, 512], sizes = [256, 256], strides = [1, 1]} : vector<256x1536xf32> to vector<256x256xf32>
    %slice3A_67 = vector.extract_strided_slice %get3A_49 {offsets = [512, 0], sizes = [256, 2], strides = [1, 1]} : vector<1536x2xf32> to vector<256x2xf32>
    %convert_element_type3A_68 = arith.truncf %slice3A_66 : vector<256x256xf32> to vector<256x256xbf16>
    %convert_element_type3A_69 = arith.truncf %slice3A_67 : vector<256x2xf32> to vector<256x2xbf16>
    %dot_general3A_70 = arith.constant dense<0.000000e+00> : vector<256x2xf32>
    %dot_general3A_71 = tpu.matmul %convert_element_type3A_68, %convert_element_type3A_69, %dot_general3A_70 {dimension_numbers = #tpu.dot_dimension_numbers<[1], [0], [0], [1], [0, 0, 1, 1], [], []>, transpose_lhs_hint = false} : vector<256x256xbf16>, vector<256x2xbf16>, vector<256x2xf32> -> vector<256x2xf32>
    %add3A_72 = arith.addf %add3A_65, %dot_general3A_71 : vector<256x2xf32>
    %slice3A_73 = vector.extract_strided_slice %concatenate3A {offsets = [0, 768], sizes = [256, 256], strides = [1, 1]} : vector<256x1536xf32> to vector<256x256xf32>
    %slice3A_74 = vector.extract_strided_slice %get3A_49 {offsets = [768, 0], sizes = [256, 2], strides = [1, 1]} : vector<1536x2xf32> to vector<256x2xf32>
    %convert_element_type3A_75 = arith.truncf %slice3A_73 : vector<256x256xf32> to vector<256x256xbf16>
    %convert_element_type3A_76 = arith.truncf %slice3A_74 : vector<256x2xf32> to vector<256x2xbf16>
    %dot_general3A_77 = arith.constant dense<0.000000e+00> : vector<256x2xf32>
    %dot_general3A_78 = tpu.matmul %convert_element_type3A_75, %convert_element_type3A_76, %dot_general3A_77 {dimension_numbers = #tpu.dot_dimension_numbers<[1], [0], [0], [1], [0, 0, 1, 1], [], []>, transpose_lhs_hint = false} : vector<256x256xbf16>, vector<256x2xbf16>, vector<256x2xf32> -> vector<256x2xf32>
    %add3A_79 = arith.addf %add3A_72, %dot_general3A_78 : vector<256x2xf32>
    %slice3A_80 = vector.extract_strided_slice %concatenate3A {offsets = [0, 1024], sizes = [256, 256], strides = [1, 1]} : vector<256x1536xf32> to vector<256x256xf32>
    %slice3A_81 = vector.extract_strided_slice %get3A_49 {offsets = [1024, 0], sizes = [256, 2], strides = [1, 1]} : vector<1536x2xf32> to vector<256x2xf32>
    %convert_element_type3A_82 = arith.truncf %slice3A_80 : vector<256x256xf32> to vector<256x256xbf16>
    %convert_element_type3A_83 = arith.truncf %slice3A_81 : vector<256x2xf32> to vector<256x2xbf16>
    %dot_general3A_84 = arith.constant dense<0.000000e+00> : vector<256x2xf32>
    %dot_general3A_85 = tpu.matmul %convert_element_type3A_82, %convert_element_type3A_83, %dot_general3A_84 {dimension_numbers = #tpu.dot_dimension_numbers<[1], [0], [0], [1], [0, 0, 1, 1], [], []>, transpose_lhs_hint = false} : vector<256x256xbf16>, vector<256x2xbf16>, vector<256x2xf32> -> vector<256x2xf32>
    %add3A_86 = arith.addf %add3A_79, %dot_general3A_85 : vector<256x2xf32>
    %slice3A_87 = vector.extract_strided_slice %concatenate3A {offsets = [0, 1280], sizes = [256, 256], strides = [1, 1]} : vector<256x1536xf32> to vector<256x256xf32>
    %slice3A_88 = vector.extract_strided_slice %get3A_49 {offsets = [1280, 0], sizes = [256, 2], strides = [1, 1]} : vector<1536x2xf32> to vector<256x2xf32>
    %convert_element_type3A_89 = arith.truncf %slice3A_87 : vector<256x256xf32> to vector<256x256xbf16>
    %convert_element_type3A_90 = arith.truncf %slice3A_88 : vector<256x2xf32> to vector<256x2xbf16>
    %dot_general3A_91 = arith.constant dense<0.000000e+00> : vector<256x2xf32>
    %dot_general3A_92 = tpu.matmul %convert_element_type3A_89, %convert_element_type3A_90, %dot_general3A_91 {dimension_numbers = #tpu.dot_dimension_numbers<[1], [0], [0], [1], [0, 0, 1, 1], [], []>, transpose_lhs_hint = false} : vector<256x256xbf16>, vector<256x2xbf16>, vector<256x2xf32> -> vector<256x2xf32>
    %add3A_93 = arith.addf %add3A_86, %dot_general3A_92 : vector<256x2xf32>
    %get3A_94 = arith.constant 0 : index
    %get3A_95 = arith.constant 0 : index
    %get3A_96 = vector.load %arg5[%get3A_94, %get3A_95] : memref<1x2xf32, #tpu.memory_space<vmem>>, vector<1x2xf32>
    %add3A_97 = vector.broadcast %get3A_96 : vector<1x2xf32> to vector<256x2xf32>
    %add3A_98 = arith.addf %add3A_93, %add3A_97 : vector<256x2xf32>
    %reduce_max3A = arith.constant dense<0xFF800000> : vector<256xf32>
    %reduce_max3A_99 = vector.multi_reduction <maximumf>, %add3A_98, %reduce_max3A [1] : vector<256x2xf32> to vector<256xf32>
    %broadcast_in_dim3A_100 = vector.shape_cast %reduce_max3A_99 : vector<256xf32> to vector<256x1xf32>
    %sub3A = vector.broadcast %broadcast_in_dim3A_100 : vector<256x1xf32> to vector<256x2xf32>
    %sub3A_101 = arith.subf %add3A_98, %sub3A : vector<256x2xf32>
    %exp3A = math.exp %sub3A_101 : vector<256x2xf32>
    %reduce_sum3A = arith.constant dense<0.000000e+00> : vector<256xf32>
    %reduce_sum3A_102 = vector.multi_reduction <add>, %exp3A, %reduce_sum3A [1] : vector<256x2xf32> to vector<256xf32>
    %broadcast_in_dim3A_103 = vector.shape_cast %reduce_sum3A_102 : vector<256xf32> to vector<256x1xf32>
    %div3A = vector.broadcast %broadcast_in_dim3A_103 : vector<256x1xf32> to vector<256x2xf32>
    %div3A_104 = arith.divf %exp3A, %div3A : vector<256x2xf32>
    %slice3A_105 = vector.extract_strided_slice %div3A_104 {offsets = [0, 0], sizes = [256, 1], strides = [1, 1]} : vector<256x2xf32> to vector<256x1xf32>
    %mul3A = vector.broadcast %slice3A_105 : vector<256x1xf32> to vector<256x4096xf32>
    %mul3A_106 = arith.mulf %mul3A, %add3A_25 : vector<256x4096xf32>
    %slice3A_107 = vector.extract_strided_slice %div3A_104 {offsets = [0, 1], sizes = [256, 1], strides = [1, 1]} : vector<256x2xf32> to vector<256x1xf32>
    %mul3A_108 = vector.broadcast %slice3A_107 : vector<256x1xf32> to vector<256x4096xf32>
    %mul3A_109 = arith.mulf %mul3A_108, %add3A_46 : vector<256x4096xf32>
    %add3A_110 = arith.addf %mul3A_106, %mul3A_109 : vector<256x4096xf32>
    %iota3A = tpu.iota {dimensions = array<i32: 1>} : vector<256x4096xi32>
    %reduce_max3A_111 = arith.constant dense<0xFF800000> : vector<256xf32>
    %reduce_max3A_112 = vector.multi_reduction <maximumf>, %add3A_110, %reduce_max3A_111 [1] : vector<256x4096xf32> to vector<256xf32>
    %broadcast_in_dim3A_113 = vector.shape_cast %reduce_max3A_112 : vector<256xf32> to vector<256x1xf32>
    %eq3A = vector.broadcast %broadcast_in_dim3A_113 : vector<256x1xf32> to vector<256x4096xf32>
    %eq3A_114 = arith.cmpf oeq, %add3A_110, %eq3A : vector<256x4096xf32>
    %jit3A = arith.constant 4096 : i32
    %broadcast_in_dim3A_115 = vector.broadcast %jit3A : i32 to vector<256x4096xi32>
    %select_n3A = arith.select %eq3A_114, %iota3A, %broadcast_in_dim3A_115 : vector<256x4096xi1>, vector<256x4096xi32>
    %reduce_min3A = arith.constant dense<2147483647> : vector<256xi32>
    %reduce_min3A_116 = vector.multi_reduction <minsi>, %select_n3A, %reduce_min3A [1] : vector<256x4096xi32> to vector<256xi32>
    %broadcast_in_dim3A_117 = vector.shape_cast %reduce_min3A_116 : vector<256xi32> to vector<256x1xi32>
    %eq3A_118 = vector.broadcast %broadcast_in_dim3A_117 : vector<256x1xi32> to vector<256x4096xi32>
    %eq3A_119 = arith.cmpi eq, %iota3A, %eq3A_118 : vector<256x4096xi32>
    %jit3A_120 = arith.constant 0xFF800000 : f32
    %broadcast_in_dim3A_121 = vector.broadcast %jit3A_120 : f32 to vector<256x4096xf32>
    %select_n3A_122 = arith.select %eq3A_119, %broadcast_in_dim3A_121, %add3A_110 : vector<256x4096xi1>, vector<256x4096xf32>
    %reduce_max3A_123 = arith.constant dense<0xFF800000> : vector<256xf32>
    %reduce_max3A_124 = vector.multi_reduction <maximumf>, %select_n3A_122, %reduce_max3A_123 [1] : vector<256x4096xf32> to vector<256xf32>
    %broadcast_in_dim3A_125 = vector.shape_cast %reduce_max3A_124 : vector<256xf32> to vector<256x1xf32>
    %eq3A_126 = vector.broadcast %broadcast_in_dim3A_125 : vector<256x1xf32> to vector<256x4096xf32>
    %eq3A_127 = arith.cmpf oeq, %select_n3A_122, %eq3A_126 : vector<256x4096xf32>
    %jit3A_128 = arith.constant 4096 : i32
    %broadcast_in_dim3A_129 = vector.broadcast %jit3A_128 : i32 to vector<256x4096xi32>
    %select_n3A_130 = arith.select %eq3A_127, %iota3A, %broadcast_in_dim3A_129 : vector<256x4096xi1>, vector<256x4096xi32>
    %reduce_min3A_131 = arith.constant dense<2147483647> : vector<256xi32>
    %reduce_min3A_132 = vector.multi_reduction <minsi>, %select_n3A_130, %reduce_min3A_131 [1] : vector<256x4096xi32> to vector<256xi32>
    %broadcast_in_dim3A_133 = vector.shape_cast %reduce_min3A_132 : vector<256xi32> to vector<256x1xi32>
    %eq3A_134 = vector.broadcast %broadcast_in_dim3A_133 : vector<256x1xi32> to vector<256x4096xi32>
    %eq3A_135 = arith.cmpi eq, %iota3A, %eq3A_134 : vector<256x4096xi32>
    %jit3A_136 = arith.constant 0xFF800000 : f32
    %broadcast_in_dim3A_137 = vector.broadcast %jit3A_136 : f32 to vector<256x4096xf32>
    %select_n3A_138 = arith.select %eq3A_135, %broadcast_in_dim3A_137, %select_n3A_122 : vector<256x4096xi1>, vector<256x4096xf32>
    %reduce_max3A_139 = arith.constant dense<0xFF800000> : vector<256xf32>
    %reduce_max3A_140 = vector.multi_reduction <maximumf>, %select_n3A_138, %reduce_max3A_139 [1] : vector<256x4096xf32> to vector<256xf32>
    %broadcast_in_dim3A_141 = vector.shape_cast %reduce_max3A_140 : vector<256xf32> to vector<256x1xf32>
    %eq3A_142 = vector.broadcast %broadcast_in_dim3A_141 : vector<256x1xf32> to vector<256x4096xf32>
    %eq3A_143 = arith.cmpf oeq, %select_n3A_138, %eq3A_142 : vector<256x4096xf32>
    %jit3A_144 = arith.constant 4096 : i32
    %broadcast_in_dim3A_145 = vector.broadcast %jit3A_144 : i32 to vector<256x4096xi32>
    %select_n3A_146 = arith.select %eq3A_143, %iota3A, %broadcast_in_dim3A_145 : vector<256x4096xi1>, vector<256x4096xi32>
    %reduce_min3A_147 = arith.constant dense<2147483647> : vector<256xi32>
    %reduce_min3A_148 = vector.multi_reduction <minsi>, %select_n3A_146, %reduce_min3A_147 [1] : vector<256x4096xi32> to vector<256xi32>
    %broadcast_in_dim3A_149 = vector.shape_cast %reduce_min3A_148 : vector<256xi32> to vector<256x1xi32>
    %eq3A_150 = vector.broadcast %broadcast_in_dim3A_149 : vector<256x1xi32> to vector<256x4096xi32>
    %eq3A_151 = arith.cmpi eq, %iota3A, %eq3A_150 : vector<256x4096xi32>
    %jit3A_152 = arith.constant 0xFF800000 : f32
    %broadcast_in_dim3A_153 = vector.broadcast %jit3A_152 : f32 to vector<256x4096xf32>
    %select_n3A_154 = arith.select %eq3A_151, %broadcast_in_dim3A_153, %select_n3A_138 : vector<256x4096xi1>, vector<256x4096xf32>
    %reduce_max3A_155 = arith.constant dense<0xFF800000> : vector<256xf32>
    %reduce_max3A_156 = vector.multi_reduction <maximumf>, %select_n3A_154, %reduce_max3A_155 [1] : vector<256x4096xf32> to vector<256xf32>
    %broadcast_in_dim3A_157 = vector.shape_cast %reduce_max3A_156 : vector<256xf32> to vector<256x1xf32>
    %eq3A_158 = vector.broadcast %broadcast_in_dim3A_157 : vector<256x1xf32> to vector<256x4096xf32>
    %eq3A_159 = arith.cmpf oeq, %select_n3A_154, %eq3A_158 : vector<256x4096xf32>
    %jit3A_160 = arith.constant 4096 : i32
    %broadcast_in_dim3A_161 = vector.broadcast %jit3A_160 : i32 to vector<256x4096xi32>
    %select_n3A_162 = arith.select %eq3A_159, %iota3A, %broadcast_in_dim3A_161 : vector<256x4096xi1>, vector<256x4096xi32>
    %reduce_min3A_163 = arith.constant dense<2147483647> : vector<256xi32>
    %reduce_min3A_164 = vector.multi_reduction <minsi>, %select_n3A_162, %reduce_min3A_163 [1] : vector<256x4096xi32> to vector<256xi32>
    %broadcast_in_dim3A_165 = vector.shape_cast %reduce_min3A_164 : vector<256xi32> to vector<256x1xi32>
    %eq3A_166 = vector.broadcast %broadcast_in_dim3A_165 : vector<256x1xi32> to vector<256x4096xi32>
    %eq3A_167 = arith.cmpi eq, %iota3A, %eq3A_166 : vector<256x4096xi32>
    %jit3A_168 = arith.constant 0xFF800000 : f32
    %broadcast_in_dim3A_169 = vector.broadcast %jit3A_168 : f32 to vector<256x4096xf32>
    %select_n3A_170 = arith.select %eq3A_167, %broadcast_in_dim3A_169, %select_n3A_154 : vector<256x4096xi1>, vector<256x4096xf32>
    %reduce_max3A_171 = arith.constant dense<0xFF800000> : vector<256xf32>
    %reduce_max3A_172 = vector.multi_reduction <maximumf>, %select_n3A_170, %reduce_max3A_171 [1] : vector<256x4096xf32> to vector<256xf32>
    %broadcast_in_dim3A_173 = vector.shape_cast %reduce_max3A_172 : vector<256xf32> to vector<256x1xf32>
    %eq3A_174 = vector.broadcast %broadcast_in_dim3A_173 : vector<256x1xf32> to vector<256x4096xf32>
    %eq3A_175 = arith.cmpf oeq, %select_n3A_170, %eq3A_174 : vector<256x4096xf32>
    %jit3A_176 = arith.constant 4096 : i32
    %broadcast_in_dim3A_177 = vector.broadcast %jit3A_176 : i32 to vector<256x4096xi32>
    %select_n3A_178 = arith.select %eq3A_175, %iota3A, %broadcast_in_dim3A_177 : vector<256x4096xi1>, vector<256x4096xi32>
    %reduce_min3A_179 = arith.constant dense<2147483647> : vector<256xi32>
    %reduce_min3A_180 = vector.multi_reduction <minsi>, %select_n3A_178, %reduce_min3A_179 [1] : vector<256x4096xi32> to vector<256xi32>
    %broadcast_in_dim3A_181 = vector.shape_cast %reduce_min3A_180 : vector<256xi32> to vector<256x1xi32>
    %eq3A_182 = vector.broadcast %broadcast_in_dim3A_181 : vector<256x1xi32> to vector<256x4096xi32>
    %eq3A_183 = arith.cmpi eq, %iota3A, %eq3A_182 : vector<256x4096xi32>
    %jit3A_184 = arith.constant 0xFF800000 : f32
    %broadcast_in_dim3A_185 = vector.broadcast %jit3A_184 : f32 to vector<256x4096xf32>
    %select_n3A_186 = arith.select %eq3A_183, %broadcast_in_dim3A_185, %select_n3A_170 : vector<256x4096xi1>, vector<256x4096xf32>
    %reduce_max3A_187 = arith.constant dense<0xFF800000> : vector<256xf32>
    %reduce_max3A_188 = vector.multi_reduction <maximumf>, %select_n3A_186, %reduce_max3A_187 [1] : vector<256x4096xf32> to vector<256xf32>
    %broadcast_in_dim3A_189 = vector.shape_cast %reduce_max3A_188 : vector<256xf32> to vector<256x1xf32>
    %eq3A_190 = vector.broadcast %broadcast_in_dim3A_189 : vector<256x1xf32> to vector<256x4096xf32>
    %eq3A_191 = arith.cmpf oeq, %select_n3A_186, %eq3A_190 : vector<256x4096xf32>
    %jit3A_192 = arith.constant 4096 : i32
    %broadcast_in_dim3A_193 = vector.broadcast %jit3A_192 : i32 to vector<256x4096xi32>
    %select_n3A_194 = arith.select %eq3A_191, %iota3A, %broadcast_in_dim3A_193 : vector<256x4096xi1>, vector<256x4096xi32>
    %reduce_min3A_195 = arith.constant dense<2147483647> : vector<256xi32>
    %reduce_min3A_196 = vector.multi_reduction <minsi>, %select_n3A_194, %reduce_min3A_195 [1] : vector<256x4096xi32> to vector<256xi32>
    %broadcast_in_dim3A_197 = vector.shape_cast %reduce_min3A_196 : vector<256xi32> to vector<256x1xi32>
    %eq3A_198 = vector.broadcast %broadcast_in_dim3A_197 : vector<256x1xi32> to vector<256x4096xi32>
    %eq3A_199 = arith.cmpi eq, %iota3A, %eq3A_198 : vector<256x4096xi32>
    %jit3A_200 = arith.constant 0xFF800000 : f32
    %broadcast_in_dim3A_201 = vector.broadcast %jit3A_200 : f32 to vector<256x4096xf32>
    %select_n3A_202 = arith.select %eq3A_199, %broadcast_in_dim3A_201, %select_n3A_186 : vector<256x4096xi1>, vector<256x4096xf32>
    %reduce_max3A_203 = arith.constant dense<0xFF800000> : vector<256xf32>
    %reduce_max3A_204 = vector.multi_reduction <maximumf>, %select_n3A_202, %reduce_max3A_203 [1] : vector<256x4096xf32> to vector<256xf32>
    %broadcast_in_dim3A_205 = vector.shape_cast %reduce_max3A_204 : vector<256xf32> to vector<256x1xf32>
    %eq3A_206 = vector.broadcast %broadcast_in_dim3A_205 : vector<256x1xf32> to vector<256x4096xf32>
    %eq3A_207 = arith.cmpf oeq, %select_n3A_202, %eq3A_206 : vector<256x4096xf32>
    %jit3A_208 = arith.constant 4096 : i32
    %broadcast_in_dim3A_209 = vector.broadcast %jit3A_208 : i32 to vector<256x4096xi32>
    %select_n3A_210 = arith.select %eq3A_207, %iota3A, %broadcast_in_dim3A_209 : vector<256x4096xi1>, vector<256x4096xi32>
    %reduce_min3A_211 = arith.constant dense<2147483647> : vector<256xi32>
    %reduce_min3A_212 = vector.multi_reduction <minsi>, %select_n3A_210, %reduce_min3A_211 [1] : vector<256x4096xi32> to vector<256xi32>
    %broadcast_in_dim3A_213 = vector.shape_cast %reduce_min3A_212 : vector<256xi32> to vector<256x1xi32>
    %eq3A_214 = vector.broadcast %broadcast_in_dim3A_213 : vector<256x1xi32> to vector<256x4096xi32>
    %eq3A_215 = arith.cmpi eq, %iota3A, %eq3A_214 : vector<256x4096xi32>
    %jit3A_216 = arith.constant 0xFF800000 : f32
    %broadcast_in_dim3A_217 = vector.broadcast %jit3A_216 : f32 to vector<256x4096xf32>
    %select_n3A_218 = arith.select %eq3A_215, %broadcast_in_dim3A_217, %select_n3A_202 : vector<256x4096xi1>, vector<256x4096xf32>
    %reduce_max3A_219 = arith.constant dense<0xFF800000> : vector<256xf32>
    %reduce_max3A_220 = vector.multi_reduction <maximumf>, %select_n3A_218, %reduce_max3A_219 [1] : vector<256x4096xf32> to vector<256xf32>
    %broadcast_in_dim3A_221 = vector.shape_cast %reduce_max3A_220 : vector<256xf32> to vector<256x1xf32>
    %eq3A_222 = vector.broadcast %broadcast_in_dim3A_221 : vector<256x1xf32> to vector<256x4096xf32>
    %eq3A_223 = arith.cmpf oeq, %select_n3A_218, %eq3A_222 : vector<256x4096xf32>
    %jit3A_224 = arith.constant 4096 : i32
    %broadcast_in_dim3A_225 = vector.broadcast %jit3A_224 : i32 to vector<256x4096xi32>
    %select_n3A_226 = arith.select %eq3A_223, %iota3A, %broadcast_in_dim3A_225 : vector<256x4096xi1>, vector<256x4096xi32>
    %reduce_min3A_227 = arith.constant dense<2147483647> : vector<256xi32>
    %reduce_min3A_228 = vector.multi_reduction <minsi>, %select_n3A_226, %reduce_min3A_227 [1] : vector<256x4096xi32> to vector<256xi32>
    %broadcast_in_dim3A_229 = vector.shape_cast %reduce_min3A_228 : vector<256xi32> to vector<256x1xi32>
    %concatenate3A_230 = tpu.concatenate %broadcast_in_dim3A_117, %broadcast_in_dim3A_133, %broadcast_in_dim3A_149, %broadcast_in_dim3A_165, %broadcast_in_dim3A_181, %broadcast_in_dim3A_197, %broadcast_in_dim3A_213, %broadcast_in_dim3A_229 in 1 : vector<256x1xi32>, vector<256x1xi32>, vector<256x1xi32>, vector<256x1xi32>, vector<256x1xi32>, vector<256x1xi32>, vector<256x1xi32>, vector<256x1xi32> -> vector<256x8xi32>
    %concatenate3A_231 = tpu.concatenate %broadcast_in_dim3A_113, %broadcast_in_dim3A_125, %broadcast_in_dim3A_141, %broadcast_in_dim3A_157, %broadcast_in_dim3A_173, %broadcast_in_dim3A_189, %broadcast_in_dim3A_205, %broadcast_in_dim3A_221 in 1 : vector<256x1xf32>, vector<256x1xf32>, vector<256x1xf32>, vector<256x1xf32>, vector<256x1xf32>, vector<256x1xf32>, vector<256x1xf32>, vector<256x1xf32> -> vector<256x8xf32>
    %reduce_max3A_232 = arith.constant dense<0xFF800000> : vector<256xf32>
    %reduce_max3A_233 = vector.multi_reduction <maximumf>, %concatenate3A_231, %reduce_max3A_232 [1] : vector<256x8xf32> to vector<256xf32>
    %broadcast_in_dim3A_234 = vector.shape_cast %reduce_max3A_233 : vector<256xf32> to vector<256x1xf32>
    %sub3A_235 = vector.broadcast %broadcast_in_dim3A_234 : vector<256x1xf32> to vector<256x8xf32>
    %sub3A_236 = arith.subf %concatenate3A_231, %sub3A_235 : vector<256x8xf32>
    %exp3A_237 = math.exp %sub3A_236 : vector<256x8xf32>
    %swap3A = arith.constant 0 : index
    %swap3A_238 = arith.constant 0 : index
    %swap3A_239 = vector.load %arg6[%swap3A, %swap3A_238] : memref<256x8xi32, #tpu.memory_space<vmem>>, vector<256x8xi32>
    tpu.vector_store %arg6[%swap3A, %swap3A_238], %concatenate3A_230 {strides = array<i32>} : memref<256x8xi32, #tpu.memory_space<vmem>>, vector<256x8xi32>,
    %reduce_sum3A_240 = arith.constant dense<0.000000e+00> : vector<256xf32>
    %reduce_sum3A_241 = vector.multi_reduction <add>, %exp3A_237, %reduce_sum3A_240 [1] : vector<256x8xf32> to vector<256xf32>
    %broadcast_in_dim3A_242 = vector.shape_cast %reduce_sum3A_241 : vector<256xf32> to vector<256x1xf32>
    %div3A_243 = vector.broadcast %broadcast_in_dim3A_242 : vector<256x1xf32> to vector<256x8xf32>
    %div3A_244 = arith.divf %exp3A_237, %div3A_243 : vector<256x8xf32>
    %swap3A_245 = arith.constant 0 : index
    %swap3A_246 = arith.constant 0 : index
    %swap3A_247 = vector.load %arg7[%swap3A_245, %swap3A_246] : memref<256x8xf32, #tpu.memory_space<vmem>>, vector<256x8xf32>
    tpu.vector_store %arg7[%swap3A_245, %swap3A_246], %div3A_244 {strides = array<i32>} : memref<256x8xf32, #tpu.memory_space<vmem>>, vector<256x8xf32>,
    return
  }
  func.func @transform_0(%arg0: i32) -> (i32, i32) {
    %c0_i32 = arith.constant 0 : i32
    %c0_i32_0 = arith.constant 0 : i32
    return %arg0, %c0_i32 : i32, i32
  }
  func.func @transform_1(%arg0: i32) -> (i32, i32) {
    %c0_i32 = arith.constant 0 : i32
    %c0_i32_0 = arith.constant 0 : i32
    return %arg0, %c0_i32 : i32, i32
  }
  func.func @transform_2(%arg0: i32) -> (i32, i32) {
    %c0_i32 = arith.constant 0 : i32
    %c0_i32_0 = arith.constant 0 : i32
    %c0_i32_1 = arith.constant 0 : i32
    return %c0_i32, %c0_i32_0 : i32, i32
  }
  func.func @transform_3(%arg0: i32) -> (i32, i32) {
    %c0_i32 = arith.constant 0 : i32
    %c0_i32_0 = arith.constant 0 : i32
    %c0_i32_1 = arith.constant 0 : i32
    return %c0_i32, %c0_i32_0 : i32, i32
  }
  func.func @transform_4(%arg0: i32) -> (i32, i32) {
    %c0_i32 = arith.constant 0 : i32
    %c0_i32_0 = arith.constant 0 : i32
    %c0_i32_1 = arith.constant 0 : i32
    return %c0_i32, %c0_i32_0 : i32, i32
  }
  func.func @transform_5(%arg0: i32) -> (i32, i32) {
    %c0_i32 = arith.constant 0 : i32
    %c0_i32_0 = arith.constant 0 : i32
    return %arg0, %c0_i32 : i32, i32
  }
  func.func @transform_6(%arg0: i32) -> (i32, i32) {
    %c0_i32 = arith.constant 0 : i32
    %c0_i32_0 = arith.constant 0 : i32
    return %arg0, %c0_i32 : i32, i32
  }
}

</mosaic_0001>

<sc_bundles>
// kernel: kernel.5.cloned.1.call-start
scs
__scs_entry_jumppad:
0x0: {  	(pc) =	sbr.rel $0x88, $3  }
0x1: {  	(tag) =	ssettag $0x0;
	lr =	simm.s32 $0x1  }
0x2: {  	[smem:$0x3F97] =	sst lr;
	_ =	strace $0xD0000000  }
0x3: {  	_ = 	snop  }
0x4: {  	_ = 	snop  }
0x5: {  	_ = 	snop  }
0x6: {  	_ = 	snop  }
0x7: {  	_ = 	snop  }
__scs_overlays_trampoline_lowered:
0x8: {  	[smem:$0x3FA6] =	sst s0  }
0x9: {  	[smem:$0x3FA7] =	sst s1  }
0xa: {  	[smem:$0x3FA8] =	sst s2  }
0xb: {  	[smem:$0x3FA9] =	sst s3  }
0xc: {  	[smem:$0x3FAA] =	sst s4  }
0xd: {  	[smem:$0x3FAB] =	sst s5  }
0xe: {  	[smem:$0x3FAC] =	sst s6  }
0xf: {  	[smem:$0x3FAD] =	sst s7  }
0x10: {  	[smem:$0x3FAE] =	sst s8  }
0x11: {  	[smem:$0x3FAF] =	sst s9;
	s0 =	simm.s32 @!p0 $0x0  }
0x12: {  	s1 =	sld [smem:$0x3F95];
	s0 =	simm.s32 @p0 $0x1  }
0x13: {  	[smem:$0x3FB0] =	sst s0;
	s0 =	simm.s32 @!p1 $0x0  }
0x14: {  	s2 =	sld [smem:$0x3F94];
	s0 =	simm.s32 @p1 $0x1  }
0x15: {  	[smem:$0x3FB1] =	sst s0;
	s0 =	simm.s32 @!p2 $0x0  }
0x16: {  	s3 =	sld [smem:$0x3FDB];
	s0 =	simm.s32 @p2 $0x1  }
0x17: {  	s4 =	simm.s32 $0x1BF5;
	[smem:$0x3FB3] =	sst s0  }
0x18: {  	s0 =	sld [smem:$0x3F96];
	_ =	swait.ge [sflag:s4], $0x0  }
0x19: {  	s7 =	sld [smem:$0x3F97]  }
0x1a: {  	s8 =	sadd.s32 $0xFFFFE003, lr  }
0x1b: {  	s9 =	sadd.s32 $0xFFFFFEF7, lr;
	s5 =	simm.s32 $0xFFFFFFFF;
	p2 =	slt.u32 s8, $0xFFFFF086  }
0x1c: {  	p1 =	slt.u32 s9, $0xF7A;
	s5 =	simm.s32 @!p2 $0x0  }
0x1d: {  	s5 =	simm.s32 @p1 $0x1;
	p0 =	seq.s32 s7, s2  }
0x1e: {  	s7 =	smul.u32 @!p0 $0xF7A, s2;
	p2 =	seq.s32 @!p0 s5, $0x0  }
0x1f: {  	s9 =	smul.u32 $0xF7A, s1;
	s8 =	simm.s32 @!p0 $0x1BF5;
	p2 =	por !p2, p0  }
0x20: {  	[sflag:s8] =	ssyncset.s32 @!p0 $0xFFFFF086;
	s6 =	sadd.s32 @!p0 s3, s7;
	s7 =	simm.s32 @!p0 $0x108  }
0x21: {  	s3 =	sadd.s32 s3, s9;
	s6 =	sadd.s32 @!p0 $0x88, s6;
	s7 =	simm.s32 @p2 $0x1082  }
0x22: {  	[simem:s7], [sflag:s8] =	dma.local @!p0 [hbm:s6], $0xF7A  }
0x23: {  	s9 =	sor.u32 $0xD0000000, s2;
	s6 =	simm.s32 $0x108;
	_ =	swait.ge @!p0 [sflag:s8], $0x0  }
0x24: {  	s3 =	sadd.s32 $0x88, s3;
	s6 =	simm.s32 @!p1 $0x1082;
	[sflag:s4] =	ssyncset.s32 $0xFFFFF086  }
0x25: {  	[simem:s6], [sflag:s4] =	dma.local [hbm:s3], $0xF7A  }
0x26: {  	[smem:$0x3F97] =	sst s1;
	(tag) =	ssettag s2;
	_ =	strace s9  }
0x27: {  	s1 =	sld [smem:$0x3FA7]  }
0x28: {  	s2 =	sld [smem:$0x3FA8]  }
0x29: {  	s4 =	sld [smem:$0x3FAA]  }
0x2a: {  	p0 =	seq.s32 s5, $0x0;
	s5 =	sld [smem:$0x3FAB]  }
0x2b: {  	s6 =	sld [smem:$0x3FAC]  }
0x2c: {  	s7 =	sld [smem:$0x3FAD]  }
0x2d: {  	s3 =	simm.s32 $0x108;
	s8 =	sld [smem:$0x3FAE]  }
0x2e: {  	s3 =	simm.s32 @!p0 $0x1082;
	s9 =	sld [smem:$0x3FAF]  }
0x2f: {  	lr =	sadd.s32 s0, s3;
	s0 =	sld [smem:$0x3FA6]  }
0x30: {  	s3 =	sld [smem:$0x3FA9]  }
0x31: {  	[smem:$0x3FB2] =	sst s10  }
0x32: {  	s10 =	sld [smem:$0x3FB0];
	_ =	sdelay $0x3  }
0x33: {  	p0 =	seq.s32 s10, $0x1;
	s10 =	sld [smem:$0x3FB2];
	_ =	sdelay $0x3  }
0x34: {  	[smem:$0x3FB2] =	sst s10  }
0x35: {  	s10 =	sld [smem:$0x3FB1];
	_ =	sdelay $0x3  }
0x36: {  	p1 =	seq.s32 s10, $0x1;
	s10 =	sld [smem:$0x3FB2];
	_ =	sdelay $0x3  }
0x37: {  	[smem:$0x3FB2] =	sst s10  }
0x38: {  	s10 =	sld [smem:$0x3FB3]  }
0x39: {  	_ = 	snop;
	(pc) =	sbr.ind lr, $3  }
0x3a: {  	_ = 	snop  }
0x3b: {  	_ = 	snop  }
0x3c: {  	p2 =	seq.s32 s10, $0x1;
	s10 =	sld [smem:$0x3FB2]  }
0x3d: {  	_ =	shalt  }
0x3e: {  	_ =	shalt  }
0x3f: {  	_ =	shalt  }
0x40: {  	_ =	shalt  }
0x41: {  	_ =	shalt  }
0x42: {  	_ =	shalt  }
0x43: {  	_ =	shalt  }
0x44: {  	_ =	shalt  }
0x45: {  	_ =	shalt  }
0x46: {  	_ =	shalt  }
0x47: {  	_ =	shalt  }
0x48: {  	_ =	shalt  }
0x49: {  	_ =	shalt  }
0x4a: {  	_ =	shalt  }
0x4b: {  	_ =	shalt  }
0x4c: {  	_ =	shalt  }
0x4d: {  	_ =	shalt  }
0x4e: {  	_ =	shalt  }
0x4f: {  	_ =	shalt  }
0x50: {  	_ =	shalt  }
0x51: {  	_ =	shalt  }
0x52: {  	_ =	shalt  }
0x53: {  	_ =	shalt  }
0x54: {  	_ =	shalt  }
0x55: {  	_ =	shalt  }
0x56: {  	_ =	shalt  }
0x57: {  	_ =	shalt  }
0x58: {  	_ =	shalt  }
0x59: {  	_ =	shalt  }
0x5a: {  	_ =	shalt  }
0x5b: {  	_ =	shalt  }
0x5c: {  	_ =	shalt  }
0x5d: {  	_ =	shalt  }
0x5e: {  	_ =	shalt  }
0x5f: {  	_ =	shalt  }
0x60: {  	_ =	shalt  }
0x61: {  	_ =	shalt  }
0x62: {  	_ =	shalt  }
0x63: {  	_ =	shalt  }
0x64: {  	_ =	shalt  }
0x65: {  	_ =	shalt  }
0x66: {  	_ =	shalt  }
0x67: {  	_ =	shalt  }
0x68: {  	_ =	shalt  }
0x69: {  	_ =	shalt  }
0x6a: {  	_ =	shalt  }
0x6b: {  	_ =	shalt  }
0x6c: {  	_ =	shalt  }
0x6d: {  	_ =	shalt  }
0x6e: {  	_ =	shalt  }
0x6f: {  	_ =	shalt  }
0x70: {  	_ =	shalt  }
0x71: {  	_ =	shalt  }
0x72: {  	_ =	shalt  }
0x73: {  	_ =	shalt  }
0x74: {  	_ =	shalt  }
0x75: {  	_ =	shalt  }
0x76: {  	_ =	shalt  }
0x77: {  	_ =	shalt  }
0x78: {  	_ =	shalt  }
0x79: {  	_ =	shalt  }
0x7a: {  	_ =	shalt  }
0x7b: {  	_ =	shalt  }
0x7c: {  	_ =	shalt  }
0x7d: {  	_ =	shalt  }
0x7e: {  	_ =	shalt  }
0x7f: {  	_ =	shalt  }
0x80: {  	_ =	shalt  }
0x81: {  	_ =	shalt  }
0x82: {  	_ =	shalt  }
0x83: {  	_ =	shalt  }
0x84: {  	_ =	shalt  }
0x85: {  	_ =	shalt  }
0x86: {  	_ =	shalt  }
0x87: {  	_ =	shalt  }
.Lfunc_end0:
.L_simem_size_0:
called_computation_lowered:
.L_overlay_start_0:
0x88: {  	s2 =	sld [smem:$0x3FD9]  }
0x89: {  	s3 =	sld [smem:$0x3FFE];
	_ =	sdelay $0x1  }
0x8a: {  	s1 =	srdreg.scid  }
0x8b: {  	s0 =	sand.u32 $0x1, s1  }
0x8c: {  	s14 =	sshll.u32 s0, $0xA;
	s2 =	sadd.s32 s3, s2  }
0x8d: {  	s2 =	sadd.s32 s2, s14  }
0x8e: {  	[smem:$0x3FBE] =	sst s2  }
0x8f: {  	_ = 	snop  }
0x90: {  	s2 =	sld [smem:$0x3FD0];
	_ =	sdelay $0x2  }
0x91: {  	s4 =	simm.s32 $0xA;
	s5 =	simm.s32 $0x10;
	s15 =	sld [smem:$0x3FC8]  }
0x92: {  	[smem:s5], [sflag:s4] =	dma.local [hbm:s2], $0x1  }
0x93: {  	_ =	swait.eq [sflag:s4], $0x1  }
0x94: {  	[sflag:s4] =	ssyncset.done $0x0  }
0x95: {  	[sflag:s4] =	ssyncadd.s32 $0xFFFFFFFF  }
0x96: {  	s16 =	sld [smem:$0x10];
	(tm) =	ssettm $0x1  }
0x97: {  	s17 =	sld [smem:$0x3FFB];
	_ =	sdelay $0x3  }
0x98: {  	_ =	strace s17  }
0x99: {  	s4 =	sld [smem:$0x3FFC];
	_ =	sdelay $0x3  }
0x9a: {  	_ =	strace s4  }
0x9b: {  	s4 =	sld [smem:$0x3FFD];
	_ =	sdelay $0x3  }
0x9c: {  	_ =	strace s4  }
0x9d: {  	_ =	strace $0x8FFFFFFF  }
0x9e: {  	s18 =	sld [smem:$0x3FDB];
	_ =	sdelay $0x1  }
0x9f: {  	s19 =	simm.s32 $_scs_section_size  }
0xa0: {  	s6 =	simm.s32 $_size__tile_overlayer_lowered;
	s7 =	simm.s32 $_tile_overlayer_lowered  }
0xa1: {  	s22 =	simm.s32 $0x1BFF;
	s21 =	sshll.u32 s7, $0x1;
	s4 =	sadd.s32 s19, s18  }
0xa2: {  	s8 =	simm.s32 $0x0;
	s20 =	sshll.u32 s6, $0x1;
	s6 =	sadd.s32 s21, s4  }
0xa3: {  	[timem:s8], [sflag:s22] =	dma.local [hbm:s6], s20  }
0xa4: {  	_ =	swait.ge [sflag:s22], s20  }
0xa5: {  	s5 =	ssub.s32 $0x0, s20;
	[sflag:s22] =	ssyncset.done $0x0  }
0xa6: {  	[sflag:s22] =	ssyncadd.s32 s5;
	_ =	sdelay $0x1  }
0xa7: {  	s23 =	simm.s32 $0x1B8B  }
0xa8: {  	_ =	swait.ge [sflag:s23], $0x1  }
0xa9: {  	[sflag:s23] =	ssyncset.done $0x0  }
0xaa: {  	s25 =	simm.s32 $0x1B8E;
	s24 =	sld [smem:$0x3FFE];
	[sflag:s23] =	ssyncadd.s32 $0xFFFFFFFF  }
0xab: {  	s26 =	simm.s32 $execute0_lowered;
	[smem:$0x3FD2] =	sst s25  }
0xac: {  	s6 =	sshll.u32 s26, $0x1;
	_ =	strace $0x80000046;
	[dreg:$0x1] =	wrdreg $0xFFFFFFFF  }
0xad: {  	s28 =	simm.s32 $_size_execute0_lowered;
	s4 =	sadd.s32 s4, s6;
	[dreg:$0x0] =	wrdreg $0x0  }
0xae: {  	s6 =	sshll.u32 s28, $0x1;
	[dreg:$0x2] =	wrdreg s4  }
0xaf: {  	[dreg:$0x3] =	wrdreg s6  }
0xb0: {  	[dreg:$0x4] =	wrdreg $0xC0  }
0xb1: {  	_ =	task [dreg:s8], $0x5FFFF  }
0xb2: {  	[dreg:$0x1] =	wrdreg $0xFFFFFFFF  }
0xb3: {  	[dreg:$0x0] =	wrdreg $0x60  }
0xb4: {  	[dreg:$0x2] =	wrdreg s15  }
0xb5: {  	[dreg:$0x3] =	wrdreg s24  }
0xb6: {  	[dreg:$0x4] =	wrdreg s16  }
0xb7: {  	[dreg:$0x5] =	wrdreg $0x9  }
0xb8: {  	_ =	task.clear_ibuf [dreg:s8], $0x6FFFF;
	_ =	strace $0x90000046  }
0xb9: {  	s29 =	simm.s32 $0x9;
	_ =	strace $0x80000048  }
0xba: {  	_ =	swait.ge [sflag:s29], $0x1  }
0xbb: {  	[sflag:s29] =	ssyncadd.s32 $0xFFFFFFFF  }
0xbc: {  	_ =	strace $0x90000048  }
0xbd: {  	_ =	sfence  }
0xbe: {  	s30 =	sld [smem:$0x0];
	_ =	sdelay $0x2  }
0xbf: {  	s31 =	sshll.u32 s1, $0xD;
	s1 =	sshrl.u32 s1, $0x2  }
0xc0: {  	s3 =	sand.u32 $0x4000, s31;
	s1 =	sadd.s32 s1, s30  }
0xc1: {  	s0 =	sor.u32 s3, s0;
	s1 =	sshll.u32 s1, $0x11  }
0xc2: {  	s0 =	sor.u32 s1, s0  }
0xc3: {  	s0 =	sadd.s32 $0x8F2B, s0  }
0xc4: {  	[sflag:s0] =	ssyncadd.remote.s32 $0x1  }
0xc5: {  	_ =	sfence.sel $0xFFFF  }
0xc6: {  	[dreg:$0x0] =	wrdreg $0xFFFFFFFF;
	(pc) =	sbr.abs _section_cstart, $3  }
0xc7: {  	[dreg:$0x1] =	wrdreg $0xFFFFFFFF  }
0xc8: {  	_ =	task.clear_ibuf [dreg:s8], $0x2FFFF;
	_ =	strace $0x9FFFFFFF  }
0xc9: {  	(tm) =	ssettm $0x7FFFFFFF  }
tec
execute0_lowered:
.L_overlay_start_1:
0x0: {  	(tag) =	ssettag $0x1  }
0x1: {  	s1 =	rddreg [dreg:$0x0]  }
0x2: {  	s0 =	rddreg [dreg:$0x1]  }
0x3: {  	s2 =	rddreg [dreg:$0x2]  }
0x4: {  	s3 =	srdreg.scid;
	s5 =	stileid.u32;
	s28 =	simm.s32 $0x80  }
0x5: {  	s4 =	sand.u32 $0x1, s3;
	s3 =	simm.s32 $0x0;
	s5 =	sshll.u32 s5, $0x7  }
0x6: {  	s0 =	sadd.s32 $0x1400, s0;
	s6 =	sshll.u32 s4, $0x6;
	[smem:$0x7FF] =	sst s3  }
0x7: {  	s4 =	ssub.s32 $0x2, s4;
	s5 =	sor.u32 s6, s5;
	_ =	strace $0x80000047  }
0x8: {  	s29 =	sshrl.u32 s4, $0x1;
	s6 =	smul.u32 $0x300, s5;
	s7 =	sadd.s32 s0, s5  }
0x9: {  	s8 =	sor.u32 $0x10, s5;
	s21 =	sor.u32 $0x20, s5;
	s5 =	sor.u32 $0x30, s5  }
0xa: {  	s30 =	ssub.s32 s4, s29;
	[dreg:$0x4] =	wrdreg s7;
	s20 =	sadd.s32 s0, s8  }
0xb: {  	s4 =	sadd.s32 $0x100, s1;
	s24 =	sadd.s32 s0, s21;
	[dreg:$0x6] =	wrdreg s20  }
0xc: {  	s19 =	smul.u32 $0x300, s8;
	s0 =	sadd.s32 s0, s5;
	[dreg:$0x8] =	wrdreg s24  }
0xd: {  	s23 =	smul.u32 $0x300, s21;
	s6 =	sadd.s32 s2, s6;
	[dreg:$0xa] =	wrdreg s0  }
0xe: {  	s26 =	smul.u32 $0x300, s5;
	[dreg:$0x5] =	wrdreg s6;
	s22 =	sadd.s32 s2, s19  }
0xf: {  	v2 =	vlaneseq.u32;
	s5 =	sadd.s32 $0x200, s1;
	s25 =	sadd.s32 s2, s23;
	[dreg:$0x7] =	wrdreg s22  }
0x10: {  	vm0 =	vmmov $0xffff;
	v1 =	vshrl.u32 v2, $0x3;
	s7 =	simm.s32 $0x2;
	s31 =	sadd.s32 s2, s26;
	[dreg:$0x9] =	wrdreg s25  }
0x11: {  	v0 =	vand.u32 $0x7, v2;
	v2 =	vor.u32 $0x8, v2;
	v1 =	vmul.u32 $0x8, v1;
	s6 =	smax.u32 s30, $0x1;
	s2 =	simm.s32 $0x1;
	[dreg:$0xb] =	wrdreg s31  }
.LBB2_1:
0x12: {  	s9 =	rddreg [dreg:$0x4]  }
0x13: {  	[tilespmem:s3], [sflag:$0x2] =	stream.linear.gather [hbm4b:s9+s3], $0x80, $0x38;
	[tilespmem:$0x18080] =	vst v63  }
0x14: {  	_ =	swait.ge [sflag:s7], $0x80  }
0x15: {  	[sflag:s7] =	ssyncset.done $0x0  }
0x16: {  	[sflag:s7] =	ssyncadd.s32 $0xFFFFFF80  }
0x17: {  	v3 =	vld [tilespmem:$0x0];
	_ =	sdelay $0x4  }
0x18: {  	v4 =	vshrl.u32 v3, $0x3  }
0x19: {  	v4 =	vmul.u32 $0x30, v4  }
0x1a: {  	v3 =	vand.u32 $0x7, v3  }
0x1b: {  	v3 =	vor.u32 v3, v4  }
0x1c: {  	v4 =	vperm.xlane v3, v0;
	_ =	sdelay $0x1  }
0x1d: {  	v4 =	vadd.s32 v1, v4;
	_ =	sdelay $0x3  }
0x1e: {  	v3 =	vperm.xlane v3, v2  }
0x1f: {  	[tilespmem:s28], [sflag:$0x1] =	stream.indirect_vreg.gather [hbm4b:s1+s3], $0x80, v4, vm0, $0xb8;
	[tilespmem:$0x18080] =	vst v63  }
0x20: {  	s0 =	simm.s32 $0x880;
	v3 =	vadd.s32 v1, v3  }
0x21: {  	[tilespmem:s0], [sflag:$0x1] =	stream.indirect_vreg.gather [hbm4b:s4+s3], $0x80, v4, vm0, $0xb8;
	[tilespmem:$0x18080] =	vst v63  }
0x22: {  	s15 =	simm.s32 $0x1080  }
0x23: {  	[tilespmem:s15], [sflag:$0x1] =	stream.indirect_vreg.gather [hbm4b:s5+s3], $0x80, v4, vm0, $0xb8;
	[tilespmem:$0x18080] =	vst v63  }
0x24: {  	s16 =	simm.s32 $0x1880  }
0x25: {  	[tilespmem:s16], [sflag:$0x1] =	stream.indirect_vreg.gather [hbm4b:s1+s3], $0x80, v3, vm0, $0xb8;
	[tilespmem:$0x18080] =	vst v63  }
0x26: {  	s17 =	simm.s32 $0x2080  }
0x27: {  	[tilespmem:s17], [sflag:$0x1] =	stream.indirect_vreg.gather [hbm4b:s4+s3], $0x80, v3, vm0, $0xb8;
	[tilespmem:$0x18080] =	vst v63  }
0x28: {  	s18 =	simm.s32 $0x2880  }
0x29: {  	[tilespmem:s18], [sflag:$0x1] =	stream.indirect_vreg.gather [hbm4b:s5+s3], $0x80, v3, vm0, $0xb8;
	[tilespmem:$0x18080] =	vst v63  }
0x2a: {  	v3 =	vld [tilespmem:$0x10];
	_ =	sdelay $0x4  }
0x2b: {  	v33 =	vshrl.u32 v3, $0x3  }
0x2c: {  	v4 =	vmul.u32 $0x30, v33  }
0x2d: {  	v3 =	vand.u32 $0x7, v3  }
0x2e: {  	v3 =	vor.u32 v3, v4  }
0x2f: {  	v4 =	vperm.xlane v3, v0;
	_ =	sdelay $0x1  }
0x30: {  	v4 =	vadd.s32 v1, v4;
	_ =	sdelay $0x3  }
0x31: {  	s19 =	simm.s32 $0x3080;
	v3 =	vperm.xlane v3, v2  }
0x32: {  	[tilespmem:s19], [sflag:$0x1] =	stream.indirect_vreg.gather [hbm4b:s1+s3], $0x80, v4, vm0, $0xb8;
	[tilespmem:$0x18080] =	vst v63  }
0x33: {  	s20 =	simm.s32 $0x3880;
	v3 =	vadd.s32 v1, v3  }
0x34: {  	[tilespmem:s20], [sflag:$0x1] =	stream.indirect_vreg.gather [hbm4b:s4+s3], $0x80, v4, vm0, $0xb8;
	[tilespmem:$0x18080] =	vst v63  }
0x35: {  	s21 =	simm.s32 $0x4080  }
0x36: {  	[tilespmem:s21], [sflag:$0x1] =	stream.indirect_vreg.gather [hbm4b:s5+s3], $0x80, v4, vm0, $0xb8;
	[tilespmem:$0x18080] =	vst v63  }
0x37: {  	s22 =	simm.s32 $0x4880  }
0x38: {  	[tilespmem:s22], [sflag:$0x1] =	stream.indirect_vreg.gather [hbm4b:s1+s3], $0x80, v3, vm0, $0xb8;
	[tilespmem:$0x18080] =	vst v63  }
0x39: {  	s23 =	simm.s32 $0x5080  }
0x3a: {  	[tilespmem:s23], [sflag:$0x1] =	stream.indirect_vreg.gather [hbm4b:s4+s3], $0x80, v3, vm0, $0xb8;
	[tilespmem:$0x18080] =	vst v63  }
0x3b: {  	s24 =	simm.s32 $0x5880  }
0x3c: {  	[tilespmem:s24], [sflag:$0x1] =	stream.indirect_vreg.gather [hbm4b:s5+s3], $0x80, v3, vm0, $0xb8;
	[tilespmem:$0x18080] =	vst v63  }
0x3d: {  	v3 =	vld [tilespmem:$0x20];
	_ =	sdelay $0x4  }
0x3e: {  	v34 =	vshrl.u32 v3, $0x3  }
0x3f: {  	v4 =	vmul.u32 $0x30, v34  }
0x40: {  	v3 =	vand.u32 $0x7, v3  }
0x41: {  	v3 =	vor.u32 v3, v4  }
0x42: {  	v4 =	vperm.xlane v3, v0;
	_ =	sdelay $0x1  }
0x43: {  	v4 =	vadd.s32 v1, v4;
	_ =	sdelay $0x3  }
0x44: {  	s25 =	simm.s32 $0x6080;
	v3 =	vperm.xlane v3, v2  }
0x45: {  	[tilespmem:s25], [sflag:$0x1] =	stream.indirect_vreg.gather [hbm4b:s1+s3], $0x80, v4, vm0, $0xb8;
	[tilespmem:$0x18080] =	vst v63  }
0x46: {  	s26 =	simm.s32 $0x6880;
	v3 =	vadd.s32 v1, v3  }
0x47: {  	[tilespmem:s26], [sflag:$0x1] =	stream.indirect_vreg.gather [hbm4b:s4+s3], $0x80, v4, vm0, $0xb8;
	[tilespmem:$0x18080] =	vst v63  }
0x48: {  	s29 =	simm.s32 $0x7080  }
0x49: {  	[tilespmem:s29], [sflag:$0x1] =	stream.indirect_vreg.gather [hbm4b:s5+s3], $0x80, v4, vm0, $0xb8;
	[tilespmem:$0x18080] =	vst v63  }
0x4a: {  	s30 =	simm.s32 $0x7880  }
0x4b: {  	[tilespmem:s30], [sflag:$0x1] =	stream.indirect_vreg.gather [hbm4b:s1+s3], $0x80, v3, vm0, $0xb8;
	[tilespmem:$0x18080] =	vst v63  }
0x4c: {  	s31 =	simm.s32 $0x8080  }
0x4d: {  	[tilespmem:s31], [sflag:$0x1] =	stream.indirect_vreg.gather [hbm4b:s4+s3], $0x80, v3, vm0, $0xb8;
	[tilespmem:$0x18080] =	vst v63  }
0x4e: {  	s8 =	simm.s32 $0x8880  }
0x4f: {  	[tilespmem:s8], [sflag:$0x1] =	stream.indirect_vreg.gather [hbm4b:s5+s3], $0x80, v3, vm0, $0xb8;
	[tilespmem:$0x18080] =	vst v63  }
0x50: {  	v3 =	vld [tilespmem:$0x30];
	_ =	sdelay $0x4  }
0x51: {  	v35 =	vshrl.u32 v3, $0x3  }
0x52: {  	v4 =	vmul.u32 $0x30, v35  }
0x53: {  	v3 =	vand.u32 $0x7, v3  }
0x54: {  	v3 =	vor.u32 v3, v4  }
0x55: {  	v4 =	vperm.xlane v3, v0;
	_ =	sdelay $0x1  }
0x56: {  	v4 =	vadd.s32 v1, v4;
	_ =	sdelay $0x3  }
0x57: {  	s9 =	simm.s32 $0x9080;
	v3 =	vperm.xlane v3, v2  }
0x58: {  	[tilespmem:s9], [sflag:$0x1] =	stream.indirect_vreg.gather [hbm4b:s1+s3], $0x80, v4, vm0, $0xb8;
	[tilespmem:$0x18080] =	vst v63  }
0x59: {  	s10 =	simm.s32 $0x9880;
	v3 =	vadd.s32 v1, v3  }
0x5a: {  	[tilespmem:s10], [sflag:$0x1] =	stream.indirect_vreg.gather [hbm4b:s4+s3], $0x80, v4, vm0, $0xb8;
	[tilespmem:$0x18080] =	vst v63  }
0x5b: {  	s11 =	simm.s32 $0xA080  }
0x5c: {  	[tilespmem:s11], [sflag:$0x1] =	stream.indirect_vreg.gather [hbm4b:s5+s3], $0x80, v4, vm0, $0xb8;
	[tilespmem:$0x18080] =	vst v63  }
0x5d: {  	s14 =	simm.s32 $0xA880  }
0x5e: {  	[tilespmem:s14], [sflag:$0x1] =	stream.indirect_vreg.gather [hbm4b:s1+s3], $0x80, v3, vm0, $0xb8;
	[tilespmem:$0x18080] =	vst v63  }
0x5f: {  	s15 =	simm.s32 $0xB080  }
0x60: {  	[tilespmem:s15], [sflag:$0x1] =	stream.indirect_vreg.gather [hbm4b:s4+s3], $0x80, v3, vm0, $0xb8;
	[tilespmem:$0x18080] =	vst v63  }
0x61: {  	s18 =	simm.s32 $0xB880  }
0x62: {  	[tilespmem:s18], [sflag:$0x1] =	stream.indirect_vreg.gather [hbm4b:s5+s3], $0x80, v3, vm0, $0xb8;
	[tilespmem:$0x18080] =	vst v63  }
0x63: {  	v3 =	vld [tilespmem:$0x40];
	_ =	sdelay $0x4  }
0x64: {  	v36 =	vshrl.u32 v3, $0x3  }
0x65: {  	v4 =	vmul.u32 $0x30, v36  }
0x66: {  	v3 =	vand.u32 $0x7, v3  }
0x67: {  	v3 =	vor.u32 v3, v4  }
0x68: {  	v4 =	vperm.xlane v3, v0;
	_ =	sdelay $0x1  }
0x69: {  	v4 =	vadd.s32 v1, v4;
	_ =	sdelay $0x3  }
0x6a: {  	s19 =	simm.s32 $0xC080;
	v3 =	vperm.xlane v3, v2  }
0x6b: {  	[tilespmem:s19], [sflag:$0x1] =	stream.indirect_vreg.gather [hbm4b:s1+s3], $0x80, v4, vm0, $0xb8;
	[tilespmem:$0x18080] =	vst v63  }
0x6c: {  	s22 =	simm.s32 $0xC880;
	v3 =	vadd.s32 v1, v3  }
0x6d: {  	[tilespmem:s22], [sflag:$0x1] =	stream.indirect_vreg.gather [hbm4b:s4+s3], $0x80, v4, vm0, $0xb8;
	[tilespmem:$0x18080] =	vst v63  }
0x6e: {  	s25 =	simm.s32 $0xD080  }
0x6f: {  	[tilespmem:s25], [sflag:$0x1] =	stream.indirect_vreg.gather [hbm4b:s5+s3], $0x80, v4, vm0, $0xb8;
	[tilespmem:$0x18080] =	vst v63  }
0x70: {  	s26 =	simm.s32 $0xD880  }
0x71: {  	[tilespmem:s26], [sflag:$0x1] =	stream.indirect_vreg.gather [hbm4b:s1+s3], $0x80, v3, vm0, $0xb8;
	[tilespmem:$0x18080] =	vst v63  }
0x72: {  	s29 =	simm.s32 $0xE080  }
0x73: {  	[tilespmem:s29], [sflag:$0x1] =	stream.indirect_vreg.gather [hbm4b:s4+s3], $0x80, v3, vm0, $0xb8;
	[tilespmem:$0x18080] =	vst v63  }
0x74: {  	s30 =	simm.s32 $0xE880  }
0x75: {  	[tilespmem:s30], [sflag:$0x1] =	stream.indirect_vreg.gather [hbm4b:s5+s3], $0x80, v3, vm0, $0xb8;
	[tilespmem:$0x18080] =	vst v63  }
0x76: {  	v3 =	vld [tilespmem:$0x50];
	_ =	sdelay $0x4  }
0x77: {  	v37 =	vshrl.u32 v3, $0x3  }
0x78: {  	v4 =	vmul.u32 $0x30, v37  }
0x79: {  	v3 =	vand.u32 $0x7, v3  }
0x7a: {  	v3 =	vor.u32 v3, v4  }
0x7b: {  	v4 =	vperm.xlane v3, v0;
	_ =	sdelay $0x1  }
0x7c: {  	v4 =	vadd.s32 v1, v4;
	_ =	sdelay $0x3  }
0x7d: {  	s31 =	simm.s32 $0xF080;
	v3 =	vperm.xlane v3, v2  }
0x7e: {  	[tilespmem:s31], [sflag:$0x1] =	stream.indirect_vreg.gather [hbm4b:s1+s3], $0x80, v4, vm0, $0xb8;
	[tilespmem:$0x18080] =	vst v63  }
0x7f: {  	s0 =	simm.s32 $0xF880;
	v3 =	vadd.s32 v1, v3  }
0x80: {  	[tilespmem:s0], [sflag:$0x1] =	stream.indirect_vreg.gather [hbm4b:s4+s3], $0x80, v4, vm0, $0xb8;
	[tilespmem:$0x18080] =	vst v63  }
0x81: {  	s8 =	simm.s32 $0x10080  }
0x82: {  	[tilespmem:s8], [sflag:$0x1] =	stream.indirect_vreg.gather [hbm4b:s5+s3], $0x80, v4, vm0, $0xb8;
	[tilespmem:$0x18080] =	vst v63  }
0x83: {  	s10 =	simm.s32 $0x10880  }
0x84: {  	[tilespmem:s10], [sflag:$0x1] =	stream.indirect_vreg.gather [hbm4b:s1+s3], $0x80, v3, vm0, $0xb8;
	[tilespmem:$0x18080] =	vst v63  }
0x85: {  	s11 =	simm.s32 $0x11080  }
0x86: {  	[tilespmem:s11], [sflag:$0x1] =	stream.indirect_vreg.gather [hbm4b:s4+s3], $0x80, v3, vm0, $0xb8;
	[tilespmem:$0x18080] =	vst v63  }
0x87: {  	s14 =	simm.s32 $0x11880  }
0x88: {  	[tilespmem:s14], [sflag:$0x1] =	stream.indirect_vreg.gather [hbm4b:s5+s3], $0x80, v3, vm0, $0xb8;
	[tilespmem:$0x18080] =	vst v63  }
0x89: {  	v3 =	vld [tilespmem:$0x60];
	_ =	sdelay $0x4  }
0x8a: {  	v38 =	vshrl.u32 v3, $0x3  }
0x8b: {  	v4 =	vmul.u32 $0x30, v38  }
0x8c: {  	v3 =	vand.u32 $0x7, v3  }
0x8d: {  	v3 =	vor.u32 v3, v4  }
0x8e: {  	v4 =	vperm.xlane v3, v0;
	_ =	sdelay $0x1  }
0x8f: {  	v4 =	vadd.s32 v1, v4;
	_ =	sdelay $0x3  }
0x90: {  	s15 =	simm.s32 $0x12080;
	v3 =	vperm.xlane v3, v2  }
0x91: {  	[tilespmem:s15], [sflag:$0x1] =	stream.indirect_vreg.gather [hbm4b:s1+s3], $0x80, v4, vm0, $0xb8;
	[tilespmem:$0x18080] =	vst v63  }
0x92: {  	s18 =	simm.s32 $0x12880;
	v3 =	vadd.s32 v1, v3  }
0x93: {  	[tilespmem:s18], [sflag:$0x1] =	stream.indirect_vreg.gather [hbm4b:s4+s3], $0x80, v4, vm0, $0xb8;
	[tilespmem:$0x18080] =	vst v63  }
0x94: {  	s19 =	simm.s32 $0x13080  }
0x95: {  	[tilespmem:s19], [sflag:$0x1] =	stream.indirect_vreg.gather [hbm4b:s5+s3], $0x80, v4, vm0, $0xb8;
	[tilespmem:$0x18080] =	vst v63  }
0x96: {  	s22 =	simm.s32 $0x13880  }
0x97: {  	[tilespmem:s22], [sflag:$0x1] =	stream.indirect_vreg.gather [hbm4b:s1+s3], $0x80, v3, vm0, $0xb8;
	[tilespmem:$0x18080] =	vst v63  }
0x98: {  	s31 =	simm.s32 $0x14080  }
0x99: {  	[tilespmem:s31], [sflag:$0x1] =	stream.indirect_vreg.gather [hbm4b:s4+s3], $0x80, v3, vm0, $0xb8;
	[tilespmem:$0x18080] =	vst v63  }
0x9a: {  	s0 =	simm.s32 $0x14880  }
0x9b: {  	[tilespmem:s0], [sflag:$0x1] =	stream.indirect_vreg.gather [hbm4b:s5+s3], $0x80, v3, vm0, $0xb8;
	[tilespmem:$0x18080] =	vst v63  }
0x9c: {  	v3 =	vld [tilespmem:$0x70];
	_ =	sdelay $0x4  }
0x9d: {  	v39 =	vshrl.u32 v3, $0x3  }
0x9e: {  	v4 =	vmul.u32 $0x30, v39  }
0x9f: {  	v3 =	vand.u32 $0x7, v3  }
0xa0: {  	v3 =	vor.u32 v3, v4  }
0xa1: {  	v4 =	vperm.xlane v3, v0;
	_ =	sdelay $0x1  }
0xa2: {  	v4 =	vadd.s32 v1, v4;
	_ =	sdelay $0x3  }
0xa3: {  	s8 =	simm.s32 $0x15080;
	v3 =	vperm.xlane v3, v2  }
0xa4: {  	[tilespmem:s8], [sflag:$0x1] =	stream.indirect_vreg.gather [hbm4b:s1+s3], $0x80, v4, vm0, $0xb8;
	[tilespmem:$0x18080] =	vst v63  }
0xa5: {  	s10 =	simm.s32 $0x15880;
	v3 =	vadd.s32 v1, v3  }
0xa6: {  	[tilespmem:s10], [sflag:$0x1] =	stream.indirect_vreg.gather [hbm4b:s4+s3], $0x80, v4, vm0, $0xb8;
	[tilespmem:$0x18080] =	vst v63  }
0xa7: {  	s11 =	simm.s32 $0x16080  }
0xa8: {  	[tilespmem:s11], [sflag:$0x1] =	stream.indirect_vreg.gather [hbm4b:s5+s3], $0x80, v4, vm0, $0xb8;
	[tilespmem:$0x18080] =	vst v63  }
0xa9: {  	s14 =	simm.s32 $0x16880  }
0xaa: {  	[tilespmem:s14], [sflag:$0x1] =	stream.indirect_vreg.gather [hbm4b:s1+s3], $0x80, v3, vm0, $0xb8;
	[tilespmem:$0x18080] =	vst v63  }
0xab: {  	s15 =	simm.s32 $0x17080  }
0xac: {  	[tilespmem:s15], [sflag:$0x1] =	stream.indirect_vreg.gather [hbm4b:s4+s3], $0x80, v3, vm0, $0xb8;
	[tilespmem:$0x18080] =	vst v63  }
0xad: {  	s18 =	simm.s32 $0x17880  }
0xae: {  	[tilespmem:s18], [sflag:$0x1] =	stream.indirect_vreg.gather [hbm4b:s5+s3], $0x80, v3, vm0, $0xb8;
	[tilespmem:$0x18080] =	vst v63  }
0xaf: {  	_ =	swait.ge [sflag:s2], $0x18000  }
0xb0: {  	[sflag:s2] =	ssyncset.done $0x0  }
0xb1: {  	s19 =	rddreg [dreg:$0x5];
	[sflag:s2] =	ssyncadd.s32 $0xFFFE8000  }
0xb2: {  	[hbm4b:s19+s3] =	stream.linear.scatter [tilespmem:s28], [sflag:$0x2], $0x18000, $0x38;
	[tilespmem:$0x18080] =	vst v63  }
0xb3: {  	_ =	swait.ge [sflag:s7], $0x18000  }
0xb4: {  	[sflag:s7] =	ssyncset.done $0x0  }
0xb5: {  	s22 =	rddreg [dreg:$0x6];
	[sflag:s7] =	ssyncadd.s32 $0xFFFE8000  }
0xb6: {  	[tilespmem:s3], [sflag:$0x2] =	stream.linear.gather [hbm4b:s22+s3], $0x80, $0x38;
	[tilespmem:$0x18080] =	vst v63  }
0xb7: {  	_ =	swait.ge [sflag:s7], $0x80  }
0xb8: {  	[sflag:s7] =	ssyncset.done $0x0  }
0xb9: {  	[sflag:s7] =	ssyncadd.s32 $0xFFFFFF80  }
0xba: {  	v3 =	vld [tilespmem:$0x0];
	_ =	sdelay $0x4  }
0xbb: {  	v40 =	vshrl.u32 v3, $0x3  }
0xbc: {  	v4 =	vmul.u32 $0x30, v40  }
0xbd: {  	v3 =	vand.u32 $0x7, v3  }
0xbe: {  	v3 =	vor.u32 v3, v4  }
0xbf: {  	v4 =	vperm.xlane v3, v0;
	_ =	sdelay $0x1  }
0xc0: {  	v4 =	vadd.s32 v1, v4;
	_ =	sdelay $0x3  }
0xc1: {  	v3 =	vperm.xlane v3, v2  }
0xc2: {  	[tilespmem:s28], [sflag:$0x1] =	stream.indirect_vreg.gather [hbm4b:s1+s3], $0x80, v4, vm0, $0xb8;
	[tilespmem:$0x18080] =	vst v63  }
0xc3: {  	s0 =	simm.s32 $0x880;
	v3 =	vadd.s32 v1, v3  }
0xc4: {  	[tilespmem:s0], [sflag:$0x1] =	stream.indirect_vreg.gather [hbm4b:s4+s3], $0x80, v4, vm0, $0xb8;
	[tilespmem:$0x18080] =	vst v63  }
0xc5: {  	s8 =	simm.s32 $0x1080  }
0xc6: {  	[tilespmem:s8], [sflag:$0x1] =	stream.indirect_vreg.gather [hbm4b:s5+s3], $0x80, v4, vm0, $0xb8;
	[tilespmem:$0x18080] =	vst v63  }
0xc7: {  	s10 =	simm.s32 $0x1880  }
0xc8: {  	[tilespmem:s10], [sflag:$0x1] =	stream.indirect_vreg.gather [hbm4b:s1+s3], $0x80, v3, vm0, $0xb8;
	[tilespmem:$0x18080] =	vst v63  }
0xc9: {  	s11 =	simm.s32 $0x2080  }
0xca: {  	[tilespmem:s11], [sflag:$0x1] =	stream.indirect_vreg.gather [hbm4b:s4+s3], $0x80, v3, vm0, $0xb8;
	[tilespmem:$0x18080] =	vst v63  }
0xcb: {  	s12 =	simm.s32 $0x2880  }
0xcc: {  	[tilespmem:s12], [sflag:$0x1] =	stream.indirect_vreg.gather [hbm4b:s5+s3], $0x80, v3, vm0, $0xb8;
	[tilespmem:$0x18080] =	vst v63  }
0xcd: {  	v3 =	vld [tilespmem:$0x10];
	_ =	sdelay $0x4  }
0xce: {  	v41 =	vshrl.u32 v3, $0x3  }
0xcf: {  	v4 =	vmul.u32 $0x30, v41  }
0xd0: {  	v3 =	vand.u32 $0x7, v3  }
0xd1: {  	v3 =	vor.u32 v3, v4  }
0xd2: {  	v4 =	vperm.xlane v3, v0;
	_ =	sdelay $0x1  }
0xd3: {  	v4 =	vadd.s32 v1, v4;
	_ =	sdelay $0x3  }
0xd4: {  	s13 =	simm.s32 $0x3080;
	v3 =	vperm.xlane v3, v2  }
0xd5: {  	[tilespmem:s13], [sflag:$0x1] =	stream.indirect_vreg.gather [hbm4b:s1+s3], $0x80, v4, vm0, $0xb8;
	[tilespmem:$0x18080] =	vst v63  }
0xd6: {  	s12 =	simm.s32 $0x3880;
	v3 =	vadd.s32 v1, v3  }
0xd7: {  	[tilespmem:s12], [sflag:$0x1] =	stream.indirect_vreg.gather [hbm4b:s4+s3], $0x80, v4, vm0, $0xb8;
	[tilespmem:$0x18080] =	vst v63  }
0xd8: {  	s13 =	simm.s32 $0x4080  }
0xd9: {  	[tilespmem:s13], [sflag:$0x1] =	stream.indirect_vreg.gather [hbm4b:s5+s3], $0x80, v4, vm0, $0xb8;
	[tilespmem:$0x18080] =	vst v63  }
0xda: {  	s14 =	simm.s32 $0x4880  }
0xdb: {  	[tilespmem:s14], [sflag:$0x1] =	stream.indirect_vreg.gather [hbm4b:s1+s3], $0x80, v3, vm0, $0xb8;
	[tilespmem:$0x18080] =	vst v63  }
0xdc: {  	s15 =	simm.s32 $0x5080  }
0xdd: {  	[tilespmem:s15], [sflag:$0x1] =	stream.indirect_vreg.gather [hbm4b:s4+s3], $0x80, v3, vm0, $0xb8;
	[tilespmem:$0x18080] =	vst v63  }
0xde: {  	s16 =	simm.s32 $0x5880  }
0xdf: {  	[tilespmem:s16], [sflag:$0x1] =	stream.indirect_vreg.gather [hbm4b:s5+s3], $0x80, v3, vm0, $0xb8;
	[tilespmem:$0x18080] =	vst v63  }
0xe0: {  	v3 =	vld [tilespmem:$0x20];
	_ =	sdelay $0x4  }
0xe1: {  	v42 =	vshrl.u32 v3, $0x3  }
0xe2: {  	v4 =	vmul.u32 $0x30, v42  }
0xe3: {  	v3 =	vand.u32 $0x7, v3  }
0xe4: {  	v3 =	vor.u32 v3, v4  }
0xe5: {  	v4 =	vperm.xlane v3, v0;
	_ =	sdelay $0x1  }
0xe6: {  	v4 =	vadd.s32 v1, v4;
	_ =	sdelay $0x3  }
0xe7: {  	s17 =	simm.s32 $0x6080;
	v3 =	vperm.xlane v3, v2  }
0xe8: {  	[tilespmem:s17], [sflag:$0x1] =	stream.indirect_vreg.gather [hbm4b:s1+s3], $0x80, v4, vm0, $0xb8;
	[tilespmem:$0x18080] =	vst v63  }
0xe9: {  	s16 =	simm.s32 $0x6880;
	v3 =	vadd.s32 v1, v3  }
0xea: {  	[tilespmem:s16], [sflag:$0x1] =	stream.indirect_vreg.gather [hbm4b:s4+s3], $0x80, v4, vm0, $0xb8;
	[tilespmem:$0x18080] =	vst v63  }
0xeb: {  	s17 =	simm.s32 $0x7080  }
0xec: {  	[tilespmem:s17], [sflag:$0x1] =	stream.indirect_vreg.gather [hbm4b:s5+s3], $0x80, v4, vm0, $0xb8;
	[tilespmem:$0x18080] =	vst v63  }
0xed: {  	s18 =	simm.s32 $0x7880  }
0xee: {  	[tilespmem:s18], [sflag:$0x1] =	stream.indirect_vreg.gather [hbm4b:s1+s3], $0x80, v3, vm0, $0xb8;
	[tilespmem:$0x18080] =	vst v63  }
0xef: {  	s19 =	simm.s32 $0x8080  }
0xf0: {  	[tilespmem:s19], [sflag:$0x1] =	stream.indirect_vreg.gather [hbm4b:s4+s3], $0x80, v3, vm0, $0xb8;
	[tilespmem:$0x18080] =	vst v63  }
0xf1: {  	s20 =	simm.s32 $0x8880  }
0xf2: {  	[tilespmem:s20], [sflag:$0x1] =	stream.indirect_vreg.gather [hbm4b:s5+s3], $0x80, v3, vm0, $0xb8;
	[tilespmem:$0x18080] =	vst v63  }
0xf3: {  	v3 =	vld [tilespmem:$0x30];
	_ =	sdelay $0x4  }
0xf4: {  	v43 =	vshrl.u32 v3, $0x3  }
0xf5: {  	v4 =	vmul.u32 $0x30, v43  }
0xf6: {  	v3 =	vand.u32 $0x7, v3  }
0xf7: {  	v3 =	vor.u32 v3, v4  }
0xf8: {  	v4 =	vperm.xlane v3, v0;
	_ =	sdelay $0x1  }
0xf9: {  	v4 =	vadd.s32 v1, v4;
	_ =	sdelay $0x3  }
0xfa: {  	s21 =	simm.s32 $0x9080;
	v3 =	vperm.xlane v3, v2  }
0xfb: {  	[tilespmem:s21], [sflag:$0x1] =	stream.indirect_vreg.gather [hbm4b:s1+s3], $0x80, v4, vm0, $0xb8;
	[tilespmem:$0x18080] =	vst v63  }
0xfc: {  	s20 =	simm.s32 $0x9880;
	v3 =	vadd.s32 v1, v3  }
0xfd: {  	[tilespmem:s20], [sflag:$0x1] =	stream.indirect_vreg.gather [hbm4b:s4+s3], $0x80, v4, vm0, $0xb8;
	[tilespmem:$0x18080] =	vst v63  }
0xfe: {  	s21 =	simm.s32 $0xA080  }
0xff: {  	[tilespmem:s21], [sflag:$0x1] =	stream.indirect_vreg.gather [hbm4b:s5+s3], $0x80, v4, vm0, $0xb8;
	[tilespmem:$0x18080] =	vst v63  }
0x100: {  	s22 =	simm.s32 $0xA880  }
0x101: {  	[tilespmem:s22], [sflag:$0x1] =	stream.indirect_vreg.gather [hbm4b:s1+s3], $0x80, v3, vm0, $0xb8;
	[tilespmem:$0x18080] =	vst v63  }
0x102: {  	s9 =	simm.s32 $0xB080  }
0x103: {  	[tilespmem:s9], [sflag:$0x1] =	stream.indirect_vreg.gather [hbm4b:s4+s3], $0x80, v3, vm0, $0xb8;
	[tilespmem:$0x18080] =	vst v63  }
0x104: {  	s23 =	simm.s32 $0xB880  }
0x105: {  	[tilespmem:s23], [sflag:$0x1] =	stream.indirect_vreg.gather [hbm4b:s5+s3], $0x80, v3, vm0, $0xb8;
	[tilespmem:$0x18080] =	vst v63  }
0x106: {  	v3 =	vld [tilespmem:$0x40];
	_ =	sdelay $0x4  }
0x107: {  	v44 =	vshrl.u32 v3, $0x3  }
0x108: {  	v4 =	vmul.u32 $0x30, v44  }
0x109: {  	v3 =	vand.u32 $0x7, v3  }
0x10a: {  	v3 =	vor.u32 v3, v4  }
0x10b: {  	v4 =	vperm.xlane v3, v0;
	_ =	sdelay $0x1  }
0x10c: {  	v4 =	vadd.s32 v1, v4;
	_ =	sdelay $0x3  }
0x10d: {  	s24 =	simm.s32 $0xC080;
	v3 =	vperm.xlane v3, v2  }
0x10e: {  	[tilespmem:s24], [sflag:$0x1] =	stream.indirect_vreg.gather [hbm4b:s1+s3], $0x80, v4, vm0, $0xb8;
	[tilespmem:$0x18080] =	vst v63  }
0x10f: {  	s23 =	simm.s32 $0xC880;
	v3 =	vadd.s32 v1, v3  }
0x110: {  	[tilespmem:s23], [sflag:$0x1] =	stream.indirect_vreg.gather [hbm4b:s4+s3], $0x80, v4, vm0, $0xb8;
	[tilespmem:$0x18080] =	vst v63  }
0x111: {  	s24 =	simm.s32 $0xD080  }
0x112: {  	[tilespmem:s24], [sflag:$0x1] =	stream.indirect_vreg.gather [hbm4b:s5+s3], $0x80, v4, vm0, $0xb8;
	[tilespmem:$0x18080] =	vst v63  }
0x113: {  	s9 =	simm.s32 $0xD880  }
0x114: {  	[tilespmem:s9], [sflag:$0x1] =	stream.indirect_vreg.gather [hbm4b:s1+s3], $0x80, v3, vm0, $0xb8;
	[tilespmem:$0x18080] =	vst v63  }
0x115: {  	s9 =	simm.s32 $0xE080  }
0x116: {  	[tilespmem:s9], [sflag:$0x1] =	stream.indirect_vreg.gather [hbm4b:s4+s3], $0x80, v3, vm0, $0xb8;
	[tilespmem:$0x18080] =	vst v63  }
0x117: {  	s25 =	simm.s32 $0xE880  }
0x118: {  	[tilespmem:s25], [sflag:$0x1] =	stream.indirect_vreg.gather [hbm4b:s5+s3], $0x80, v3, vm0, $0xb8;
	[tilespmem:$0x18080] =	vst v63  }
0x119: {  	v3 =	vld [tilespmem:$0x50];
	_ =	sdelay $0x4  }
0x11a: {  	v45 =	vshrl.u32 v3, $0x3  }
0x11b: {  	v4 =	vmul.u32 $0x30, v45  }
0x11c: {  	v3 =	vand.u32 $0x7, v3  }
0x11d: {  	v3 =	vor.u32 v3, v4  }
0x11e: {  	v4 =	vperm.xlane v3, v0;
	_ =	sdelay $0x1  }
0x11f: {  	v4 =	vadd.s32 v1, v4;
	_ =	sdelay $0x3  }
0x120: {  	s26 =	simm.s32 $0xF080;
	v3 =	vperm.xlane v3, v2  }
0x121: {  	[tilespmem:s26], [sflag:$0x1] =	stream.indirect_vreg.gather [hbm4b:s1+s3], $0x80, v4, vm0, $0xb8;
	[tilespmem:$0x18080] =	vst v63  }
0x122: {  	s25 =	simm.s32 $0xF880;
	v3 =	vadd.s32 v1, v3  }
0x123: {  	[tilespmem:s25], [sflag:$0x1] =	stream.indirect_vreg.gather [hbm4b:s4+s3], $0x80, v4, vm0, $0xb8;
	[tilespmem:$0x18080] =	vst v63  }
0x124: {  	s26 =	simm.s32 $0x10080  }
0x125: {  	[tilespmem:s26], [sflag:$0x1] =	stream.indirect_vreg.gather [hbm4b:s5+s3], $0x80, v4, vm0, $0xb8;
	[tilespmem:$0x18080] =	vst v63  }
0x126: {  	s25 =	simm.s32 $0x10880  }
0x127: {  	[tilespmem:s25], [sflag:$0x1] =	stream.indirect_vreg.gather [hbm4b:s1+s3], $0x80, v3, vm0, $0xb8;
	[tilespmem:$0x18080] =	vst v63  }
0x128: {  	s26 =	simm.s32 $0x11080  }
0x129: {  	[tilespmem:s26], [sflag:$0x1] =	stream.indirect_vreg.gather [hbm4b:s4+s3], $0x80, v3, vm0, $0xb8;
	[tilespmem:$0x18080] =	vst v63  }
0x12a: {  	s29 =	simm.s32 $0x11880  }
0x12b: {  	[tilespmem:s29], [sflag:$0x1] =	stream.indirect_vreg.gather [hbm4b:s5+s3], $0x80, v3, vm0, $0xb8;
	[tilespmem:$0x18080] =	vst v63  }
0x12c: {  	v3 =	vld [tilespmem:$0x60];
	_ =	sdelay $0x4  }
0x12d: {  	v46 =	vshrl.u32 v3, $0x3  }
0x12e: {  	v4 =	vmul.u32 $0x30, v46  }
0x12f: {  	v3 =	vand.u32 $0x7, v3  }
0x130: {  	v3 =	vor.u32 v3, v4  }
0x131: {  	v4 =	vperm.xlane v3, v0;
	_ =	sdelay $0x1  }
0x132: {  	v4 =	vadd.s32 v1, v4;
	_ =	sdelay $0x3  }
0x133: {  	s30 =	simm.s32 $0x12080;
	v3 =	vperm.xlane v3, v2  }
0x134: {  	[tilespmem:s30], [sflag:$0x1] =	stream.indirect_vreg.gather [hbm4b:s1+s3], $0x80, v4, vm0, $0xb8;
	[tilespmem:$0x18080] =	vst v63  }
0x135: {  	s25 =	simm.s32 $0x12880;
	v3 =	vadd.s32 v1, v3  }
0x136: {  	[tilespmem:s25], [sflag:$0x1] =	stream.indirect_vreg.gather [hbm4b:s4+s3], $0x80, v4, vm0, $0xb8;
	[tilespmem:$0x18080] =	vst v63  }
0x137: {  	s26 =	simm.s32 $0x13080  }
0x138: {  	[tilespmem:s26], [sflag:$0x1] =	stream.indirect_vreg.gather [hbm4b:s5+s3], $0x80, v4, vm0, $0xb8;
	[tilespmem:$0x18080] =	vst v63  }
0x139: {  	s29 =	simm.s32 $0x13880  }
0x13a: {  	[tilespmem:s29], [sflag:$0x1] =	stream.indirect_vreg.gather [hbm4b:s1+s3], $0x80, v3, vm0, $0xb8;
	[tilespmem:$0x18080] =	vst v63  }
0x13b: {  	s30 =	simm.s32 $0x14080  }
0x13c: {  	[tilespmem:s30], [sflag:$0x1] =	stream.indirect_vreg.gather [hbm4b:s4+s3], $0x80, v3, vm0, $0xb8;
	[tilespmem:$0x18080] =	vst v63  }
0x13d: {  	s31 =	simm.s32 $0x14880  }
0x13e: {  	[tilespmem:s31], [sflag:$0x1] =	stream.indirect_vreg.gather [hbm4b:s5+s3], $0x80, v3, vm0, $0xb8;
	[tilespmem:$0x18080] =	vst v63  }
0x13f: {  	v3 =	vld [tilespmem:$0x70];
	_ =	sdelay $0x4  }
0x140: {  	v47 =	vshrl.u32 v3, $0x3  }
0x141: {  	v4 =	vmul.u32 $0x30, v47  }
0x142: {  	v3 =	vand.u32 $0x7, v3  }
0x143: {  	v3 =	vor.u32 v3, v4  }
0x144: {  	v4 =	vperm.xlane v3, v0;
	_ =	sdelay $0x1  }
0x145: {  	v4 =	vadd.s32 v1, v4;
	_ =	sdelay $0x3  }
0x146: {  	s31 =	simm.s32 $0x15080;
	v3 =	vperm.xlane v3, v2  }
0x147: {  	[tilespmem:s31], [sflag:$0x1] =	stream.indirect_vreg.gather [hbm4b:s1+s3], $0x80, v4, vm0, $0xb8;
	[tilespmem:$0x18080] =	vst v63  }
0x148: {  	s25 =	simm.s32 $0x15880;
	v3 =	vadd.s32 v1, v3  }
0x149: {  	[tilespmem:s25], [sflag:$0x1] =	stream.indirect_vreg.gather [hbm4b:s4+s3], $0x80, v4, vm0, $0xb8;
	[tilespmem:$0x18080] =	vst v63  }
0x14a: {  	s26 =	simm.s32 $0x16080  }
0x14b: {  	[tilespmem:s26], [sflag:$0x1] =	stream.indirect_vreg.gather [hbm4b:s5+s3], $0x80, v4, vm0, $0xb8;
	[tilespmem:$0x18080] =	vst v63  }
0x14c: {  	s29 =	simm.s32 $0x16880  }
0x14d: {  	[tilespmem:s29], [sflag:$0x1] =	stream.indirect_vreg.gather [hbm4b:s1+s3], $0x80, v3, vm0, $0xb8;
	[tilespmem:$0x18080] =	vst v63  }
0x14e: {  	s30 =	simm.s32 $0x17080  }
0x14f: {  	[tilespmem:s30], [sflag:$0x1] =	stream.indirect_vreg.gather [hbm4b:s4+s3], $0x80, v3, vm0, $0xb8;
	[tilespmem:$0x18080] =	vst v63  }
0x150: {  	s31 =	simm.s32 $0x17880  }
0x151: {  	[tilespmem:s31], [sflag:$0x1] =	stream.indirect_vreg.gather [hbm4b:s5+s3], $0x80, v3, vm0, $0xb8;
	[tilespmem:$0x18080] =	vst v63  }
0x152: {  	_ =	swait.ge [sflag:s2], $0x18000  }
0x153: {  	[sflag:s2] =	ssyncset.done $0x0  }
0x154: {  	s25 =	rddreg [dreg:$0x7];
	[sflag:s2] =	ssyncadd.s32 $0xFFFE8000  }
0x155: {  	[hbm4b:s25+s3] =	stream.linear.scatter [tilespmem:s28], [sflag:$0x2], $0x18000, $0x38;
	[tilespmem:$0x18080] =	vst v63  }
0x156: {  	_ =	swait.ge [sflag:s7], $0x18000  }
0x157: {  	[sflag:s7] =	ssyncset.done $0x0  }
0x158: {  	s26 =	rddreg [dreg:$0x8];
	[sflag:s7] =	ssyncadd.s32 $0xFFFE8000  }
0x159: {  	[tilespmem:s3], [sflag:$0x2] =	stream.linear.gather [hbm4b:s26+s3], $0x80, $0x38;
	[tilespmem:$0x18080] =	vst v63  }
0x15a: {  	_ =	swait.ge [sflag:s7], $0x80  }
0x15b: {  	[sflag:s7] =	ssyncset.done $0x0  }
0x15c: {  	[sflag:s7] =	ssyncadd.s32 $0xFFFFFF80  }
0x15d: {  	v3 =	vld [tilespmem:$0x0];
	_ =	sdelay $0x4  }
0x15e: {  	v48 =	vshrl.u32 v3, $0x3  }
0x15f: {  	v4 =	vmul.u32 $0x30, v48  }
0x160: {  	v3 =	vand.u32 $0x7, v3  }
0x161: {  	v3 =	vor.u32 v3, v4  }
0x162: {  	v4 =	vperm.xlane v3, v0;
	_ =	sdelay $0x1  }
0x163: {  	v4 =	vadd.s32 v1, v4;
	_ =	sdelay $0x3  }
0x164: {  	v3 =	vperm.xlane v3, v2  }
0x165: {  	[tilespmem:s28], [sflag:$0x1] =	stream.indirect_vreg.gather [hbm4b:s1+s3], $0x80, v4, vm0, $0xb8;
	[tilespmem:$0x18080] =	vst v63  }
0x166: {  	v3 =	vadd.s32 v1, v3  }
0x167: {  	[tilespmem:s0], [sflag:$0x1] =	stream.indirect_vreg.gather [hbm4b:s4+s3], $0x80, v4, vm0, $0xb8;
	[tilespmem:$0x18080] =	vst v63  }
0x168: {  	_ = 	snop  }
0x169: {  	[tilespmem:s8], [sflag:$0x1] =	stream.indirect_vreg.gather [hbm4b:s5+s3], $0x80, v4, vm0, $0xb8;
	[tilespmem:$0x18080] =	vst v63  }
0x16a: {  	_ = 	snop  }
0x16b: {  	[tilespmem:s10], [sflag:$0x1] =	stream.indirect_vreg.gather [hbm4b:s1+s3], $0x80, v3, vm0, $0xb8;
	[tilespmem:$0x18080] =	vst v63  }
0x16c: {  	_ = 	snop  }
0x16d: {  	[tilespmem:s11], [sflag:$0x1] =	stream.indirect_vreg.gather [hbm4b:s4+s3], $0x80, v3, vm0, $0xb8;
	[tilespmem:$0x18080] =	vst v63  }
0x16e: {  	s29 =	simm.s32 $0x2880  }
0x16f: {  	[tilespmem:s29], [sflag:$0x1] =	stream.indirect_vreg.gather [hbm4b:s5+s3], $0x80, v3, vm0, $0xb8;
	[tilespmem:$0x18080] =	vst v63  }
0x170: {  	v3 =	vld [tilespmem:$0x10];
	_ =	sdelay $0x4  }
0x171: {  	v49 =	vshrl.u32 v3, $0x3  }
0x172: {  	v4 =	vmul.u32 $0x30, v49  }
0x173: {  	v3 =	vand.u32 $0x7, v3  }
0x174: {  	v3 =	vor.u32 v3, v4  }
0x175: {  	v4 =	vperm.xlane v3, v0;
	_ =	sdelay $0x1  }
0x176: {  	v4 =	vadd.s32 v1, v4;
	_ =	sdelay $0x3  }
0x177: {  	s30 =	simm.s32 $0x3080;
	v3 =	vperm.xlane v3, v2  }
0x178: {  	[tilespmem:s30], [sflag:$0x1] =	stream.indirect_vreg.gather [hbm4b:s1+s3], $0x80, v4, vm0, $0xb8;
	[tilespmem:$0x18080] =	vst v63  }
0x179: {  	v3 =	vadd.s32 v1, v3  }
0x17a: {  	[tilespmem:s12], [sflag:$0x1] =	stream.indirect_vreg.gather [hbm4b:s4+s3], $0x80, v4, vm0, $0xb8;
	[tilespmem:$0x18080] =	vst v63  }
0x17b: {  	_ = 	snop  }
0x17c: {  	[tilespmem:s13], [sflag:$0x1] =	stream.indirect_vreg.gather [hbm4b:s5+s3], $0x80, v4, vm0, $0xb8;
	[tilespmem:$0x18080] =	vst v63  }
0x17d: {  	_ = 	snop  }
0x17e: {  	[tilespmem:s14], [sflag:$0x1] =	stream.indirect_vreg.gather [hbm4b:s1+s3], $0x80, v3, vm0, $0xb8;
	[tilespmem:$0x18080] =	vst v63  }
0x17f: {  	_ = 	snop  }
0x180: {  	[tilespmem:s15], [sflag:$0x1] =	stream.indirect_vreg.gather [hbm4b:s4+s3], $0x80, v3, vm0, $0xb8;
	[tilespmem:$0x18080] =	vst v63  }
0x181: {  	s31 =	simm.s32 $0x5880  }
0x182: {  	[tilespmem:s31], [sflag:$0x1] =	stream.indirect_vreg.gather [hbm4b:s5+s3], $0x80, v3, vm0, $0xb8;
	[tilespmem:$0x18080] =	vst v63  }
0x183: {  	v3 =	vld [tilespmem:$0x20];
	_ =	sdelay $0x4  }
0x184: {  	v50 =	vshrl.u32 v3, $0x3  }
0x185: {  	v4 =	vmul.u32 $0x30, v50  }
0x186: {  	v3 =	vand.u32 $0x7, v3  }
0x187: {  	v3 =	vor.u32 v3, v4  }
0x188: {  	v4 =	vperm.xlane v3, v0;
	_ =	sdelay $0x1  }
0x189: {  	v4 =	vadd.s32 v1, v4;
	_ =	sdelay $0x3  }
0x18a: {  	s25 =	simm.s32 $0x6080;
	v3 =	vperm.xlane v3, v2  }
0x18b: {  	[tilespmem:s25], [sflag:$0x1] =	stream.indirect_vreg.gather [hbm4b:s1+s3], $0x80, v4, vm0, $0xb8;
	[tilespmem:$0x18080] =	vst v63  }
0x18c: {  	v3 =	vadd.s32 v1, v3  }
0x18d: {  	[tilespmem:s16], [sflag:$0x1] =	stream.indirect_vreg.gather [hbm4b:s4+s3], $0x80, v4, vm0, $0xb8;
	[tilespmem:$0x18080] =	vst v63  }
0x18e: {  	_ = 	snop  }
0x18f: {  	[tilespmem:s17], [sflag:$0x1] =	stream.indirect_vreg.gather [hbm4b:s5+s3], $0x80, v4, vm0, $0xb8;
	[tilespmem:$0x18080] =	vst v63  }
0x190: {  	_ = 	snop  }
0x191: {  	[tilespmem:s18], [sflag:$0x1] =	stream.indirect_vreg.gather [hbm4b:s1+s3], $0x80, v3, vm0, $0xb8;
	[tilespmem:$0x18080] =	vst v63  }
0x192: {  	_ = 	snop  }
0x193: {  	[tilespmem:s19], [sflag:$0x1] =	stream.indirect_vreg.gather [hbm4b:s4+s3], $0x80, v3, vm0, $0xb8;
	[tilespmem:$0x18080] =	vst v63  }
0x194: {  	s26 =	simm.s32 $0x8880  }
0x195: {  	[tilespmem:s26], [sflag:$0x1] =	stream.indirect_vreg.gather [hbm4b:s5+s3], $0x80, v3, vm0, $0xb8;
	[tilespmem:$0x18080] =	vst v63  }
0x196: {  	v3 =	vld [tilespmem:$0x30];
	_ =	sdelay $0x4  }
0x197: {  	v51 =	vshrl.u32 v3, $0x3  }
0x198: {  	v4 =	vmul.u32 $0x30, v51  }
0x199: {  	v3 =	vand.u32 $0x7, v3  }
0x19a: {  	v3 =	vor.u32 v3, v4  }
0x19b: {  	v4 =	vperm.xlane v3, v0;
	_ =	sdelay $0x1  }
0x19c: {  	v4 =	vadd.s32 v1, v4;
	_ =	sdelay $0x3  }
0x19d: {  	s29 =	simm.s32 $0x9080;
	v3 =	vperm.xlane v3, v2  }
0x19e: {  	[tilespmem:s29], [sflag:$0x1] =	stream.indirect_vreg.gather [hbm4b:s1+s3], $0x80, v4, vm0, $0xb8;
	[tilespmem:$0x18080] =	vst v63  }
0x19f: {  	v3 =	vadd.s32 v1, v3  }
0x1a0: {  	[tilespmem:s20], [sflag:$0x1] =	stream.indirect_vreg.gather [hbm4b:s4+s3], $0x80, v4, vm0, $0xb8;
	[tilespmem:$0x18080] =	vst v63  }
0x1a1: {  	_ = 	snop  }
0x1a2: {  	[tilespmem:s21], [sflag:$0x1] =	stream.indirect_vreg.gather [hbm4b:s5+s3], $0x80, v4, vm0, $0xb8;
	[tilespmem:$0x18080] =	vst v63  }
0x1a3: {  	_ = 	snop  }
0x1a4: {  	[tilespmem:s22], [sflag:$0x1] =	stream.indirect_vreg.gather [hbm4b:s1+s3], $0x80, v3, vm0, $0xb8;
	[tilespmem:$0x18080] =	vst v63  }
0x1a5: {  	s30 =	simm.s32 $0xB080  }
0x1a6: {  	[tilespmem:s30], [sflag:$0x1] =	stream.indirect_vreg.gather [hbm4b:s4+s3], $0x80, v3, vm0, $0xb8;
	[tilespmem:$0x18080] =	vst v63  }
0x1a7: {  	s31 =	simm.s32 $0xB880  }
0x1a8: {  	[tilespmem:s31], [sflag:$0x1] =	stream.indirect_vreg.gather [hbm4b:s5+s3], $0x80, v3, vm0, $0xb8;
	[tilespmem:$0x18080] =	vst v63  }
0x1a9: {  	v3 =	vld [tilespmem:$0x40];
	_ =	sdelay $0x4  }
0x1aa: {  	v52 =	vshrl.u32 v3, $0x3  }
0x1ab: {  	v4 =	vmul.u32 $0x30, v52  }
0x1ac: {  	v3 =	vand.u32 $0x7, v3  }
0x1ad: {  	v3 =	vor.u32 v3, v4  }
0x1ae: {  	v4 =	vperm.xlane v3, v0;
	_ =	sdelay $0x1  }
0x1af: {  	v4 =	vadd.s32 v1, v4;
	_ =	sdelay $0x3  }
0x1b0: {  	s25 =	simm.s32 $0xC080;
	v3 =	vperm.xlane v3, v2  }
0x1b1: {  	[tilespmem:s25], [sflag:$0x1] =	stream.indirect_vreg.gather [hbm4b:s1+s3], $0x80, v4, vm0, $0xb8;
	[tilespmem:$0x18080] =	vst v63  }
0x1b2: {  	s23 =	simm.s32 $0xC880;
	v3 =	vadd.s32 v1, v3  }
0x1b3: {  	[tilespmem:s23], [sflag:$0x1] =	stream.indirect_vreg.gather [hbm4b:s4+s3], $0x80, v4, vm0, $0xb8;
	[tilespmem:$0x18080] =	vst v63  }
0x1b4: {  	s24 =	simm.s32 $0xD080  }
0x1b5: {  	[tilespmem:s24], [sflag:$0x1] =	stream.indirect_vreg.gather [hbm4b:s5+s3], $0x80, v4, vm0, $0xb8;
	[tilespmem:$0x18080] =	vst v63  }
0x1b6: {  	s26 =	simm.s32 $0xD880  }
0x1b7: {  	[tilespmem:s26], [sflag:$0x1] =	stream.indirect_vreg.gather [hbm4b:s1+s3], $0x80, v3, vm0, $0xb8;
	[tilespmem:$0x18080] =	vst v63  }
0x1b8: {  	s29 =	simm.s32 $0xE080  }
0x1b9: {  	[tilespmem:s29], [sflag:$0x1] =	stream.indirect_vreg.gather [hbm4b:s4+s3], $0x80, v3, vm0, $0xb8;
	[tilespmem:$0x18080] =	vst v63  }
0x1ba: {  	s30 =	simm.s32 $0xE880  }
0x1bb: {  	[tilespmem:s30], [sflag:$0x1] =	stream.indirect_vreg.gather [hbm4b:s5+s3], $0x80, v3, vm0, $0xb8;
	[tilespmem:$0x18080] =	vst v63  }
0x1bc: {  	v3 =	vld [tilespmem:$0x50];
	_ =	sdelay $0x4  }
0x1bd: {  	v53 =	vshrl.u32 v3, $0x3  }
0x1be: {  	v4 =	vmul.u32 $0x30, v53  }
0x1bf: {  	v3 =	vand.u32 $0x7, v3  }
0x1c0: {  	v3 =	vor.u32 v3, v4  }
0x1c1: {  	v4 =	vperm.xlane v3, v0;
	_ =	sdelay $0x1  }
0x1c2: {  	v4 =	vadd.s32 v1, v4;
	_ =	sdelay $0x3  }
0x1c3: {  	s31 =	simm.s32 $0xF080;
	v3 =	vperm.xlane v3, v2  }
0x1c4: {  	[tilespmem:s31], [sflag:$0x1] =	stream.indirect_vreg.gather [hbm4b:s1+s3], $0x80, v4, vm0, $0xb8;
	[tilespmem:$0x18080] =	vst v63  }
0x1c5: {  	s29 =	simm.s32 $0xF880;
	v3 =	vadd.s32 v1, v3  }
0x1c6: {  	[tilespmem:s29], [sflag:$0x1] =	stream.indirect_vreg.gather [hbm4b:s4+s3], $0x80, v4, vm0, $0xb8;
	[tilespmem:$0x18080] =	vst v63  }
0x1c7: {  	s30 =	simm.s32 $0x10080  }
0x1c8: {  	[tilespmem:s30], [sflag:$0x1] =	stream.indirect_vreg.gather [hbm4b:s5+s3], $0x80, v4, vm0, $0xb8;
	[tilespmem:$0x18080] =	vst v63  }
0x1c9: {  	s31 =	simm.s32 $0x10880  }
0x1ca: {  	[tilespmem:s31], [sflag:$0x1] =	stream.indirect_vreg.gather [hbm4b:s1+s3], $0x80, v3, vm0, $0xb8;
	[tilespmem:$0x18080] =	vst v63  }
0x1cb: {  	s9 =	simm.s32 $0x11080  }
0x1cc: {  	[tilespmem:s9], [sflag:$0x1] =	stream.indirect_vreg.gather [hbm4b:s4+s3], $0x80, v3, vm0, $0xb8;
	[tilespmem:$0x18080] =	vst v63  }
0x1cd: {  	s9 =	simm.s32 $0x11880  }
0x1ce: {  	[tilespmem:s9], [sflag:$0x1] =	stream.indirect_vreg.gather [hbm4b:s5+s3], $0x80, v3, vm0, $0xb8;
	[tilespmem:$0x18080] =	vst v63  }
0x1cf: {  	v3 =	vld [tilespmem:$0x60];
	_ =	sdelay $0x4  }
0x1d0: {  	v54 =	vshrl.u32 v3, $0x3  }
0x1d1: {  	v4 =	vmul.u32 $0x30, v54  }
0x1d2: {  	v3 =	vand.u32 $0x7, v3  }
0x1d3: {  	v3 =	vor.u32 v3, v4  }
0x1d4: {  	v4 =	vperm.xlane v3, v0;
	_ =	sdelay $0x1  }
0x1d5: {  	v4 =	vadd.s32 v1, v4;
	_ =	sdelay $0x3  }
0x1d6: {  	s9 =	simm.s32 $0x12080;
	v3 =	vperm.xlane v3, v2  }
0x1d7: {  	[tilespmem:s9], [sflag:$0x1] =	stream.indirect_vreg.gather [hbm4b:s1+s3], $0x80, v4, vm0, $0xb8;
	[tilespmem:$0x18080] =	vst v63  }
0x1d8: {  	v3 =	vadd.s32 v1, v3;
	s9 =	simm.s32 $0x12880  }
0x1d9: {  	[tilespmem:s9], [sflag:$0x1] =	stream.indirect_vreg.gather [hbm4b:s4+s3], $0x80, v4, vm0, $0xb8;
	[tilespmem:$0x18080] =	vst v63  }
0x1da: {  	s9 =	simm.s32 $0x13080  }
0x1db: {  	[tilespmem:s9], [sflag:$0x1] =	stream.indirect_vreg.gather [hbm4b:s5+s3], $0x80, v4, vm0, $0xb8;
	[tilespmem:$0x18080] =	vst v63  }
0x1dc: {  	s9 =	simm.s32 $0x13880  }
0x1dd: {  	[tilespmem:s9], [sflag:$0x1] =	stream.indirect_vreg.gather [hbm4b:s1+s3], $0x80, v3, vm0, $0xb8;
	[tilespmem:$0x18080] =	vst v63  }
0x1de: {  	s9 =	simm.s32 $0x14080  }
0x1df: {  	[tilespmem:s9], [sflag:$0x1] =	stream.indirect_vreg.gather [hbm4b:s4+s3], $0x80, v3, vm0, $0xb8;
	[tilespmem:$0x18080] =	vst v63  }
0x1e0: {  	s9 =	simm.s32 $0x14880  }
0x1e1: {  	[tilespmem:s9], [sflag:$0x1] =	stream.indirect_vreg.gather [hbm4b:s5+s3], $0x80, v3, vm0, $0xb8;
	[tilespmem:$0x18080] =	vst v63  }
0x1e2: {  	v3 =	vld [tilespmem:$0x70];
	_ =	sdelay $0x4  }
0x1e3: {  	v55 =	vshrl.u32 v3, $0x3  }
0x1e4: {  	v4 =	vmul.u32 $0x30, v55  }
0x1e5: {  	v3 =	vand.u32 $0x7, v3  }
0x1e6: {  	v3 =	vor.u32 v3, v4  }
0x1e7: {  	v4 =	vperm.xlane v3, v0;
	_ =	sdelay $0x1  }
0x1e8: {  	v4 =	vadd.s32 v1, v4;
	_ =	sdelay $0x3  }
0x1e9: {  	s9 =	simm.s32 $0x15080;
	v3 =	vperm.xlane v3, v2  }
0x1ea: {  	[tilespmem:s9], [sflag:$0x1] =	stream.indirect_vreg.gather [hbm4b:s1+s3], $0x80, v4, vm0, $0xb8;
	[tilespmem:$0x18080] =	vst v63  }
0x1eb: {  	v3 =	vadd.s32 v1, v3;
	s9 =	simm.s32 $0x15880  }
0x1ec: {  	[tilespmem:s9], [sflag:$0x1] =	stream.indirect_vreg.gather [hbm4b:s4+s3], $0x80, v4, vm0, $0xb8;
	[tilespmem:$0x18080] =	vst v63  }
0x1ed: {  	s9 =	simm.s32 $0x16080  }
0x1ee: {  	[tilespmem:s9], [sflag:$0x1] =	stream.indirect_vreg.gather [hbm4b:s5+s3], $0x80, v4, vm0, $0xb8;
	[tilespmem:$0x18080] =	vst v63  }
0x1ef: {  	s9 =	simm.s32 $0x16880  }
0x1f0: {  	[tilespmem:s9], [sflag:$0x1] =	stream.indirect_vreg.gather [hbm4b:s1+s3], $0x80, v3, vm0, $0xb8;
	[tilespmem:$0x18080] =	vst v63  }
0x1f1: {  	s9 =	simm.s32 $0x17080  }
0x1f2: {  	[tilespmem:s9], [sflag:$0x1] =	stream.indirect_vreg.gather [hbm4b:s4+s3], $0x80, v3, vm0, $0xb8;
	[tilespmem:$0x18080] =	vst v63  }
0x1f3: {  	s9 =	simm.s32 $0x17880  }
0x1f4: {  	[tilespmem:s9], [sflag:$0x1] =	stream.indirect_vreg.gather [hbm4b:s5+s3], $0x80, v3, vm0, $0xb8;
	[tilespmem:$0x18080] =	vst v63  }
0x1f5: {  	_ =	swait.ge [sflag:s2], $0x18000  }
0x1f6: {  	[sflag:s2] =	ssyncset.done $0x0  }
0x1f7: {  	s9 =	rddreg [dreg:$0x9];
	[sflag:s2] =	ssyncadd.s32 $0xFFFE8000  }
0x1f8: {  	[hbm4b:s9+s3] =	stream.linear.scatter [tilespmem:s28], [sflag:$0x2], $0x18000, $0x38;
	[tilespmem:$0x18080] =	vst v63  }
0x1f9: {  	_ =	swait.ge [sflag:s7], $0x18000  }
0x1fa: {  	[sflag:s7] =	ssyncset.done $0x0  }
0x1fb: {  	s9 =	rddreg [dreg:$0xa];
	[sflag:s7] =	ssyncadd.s32 $0xFFFE8000  }
0x1fc: {  	[tilespmem:s3], [sflag:$0x2] =	stream.linear.gather [hbm4b:s9+s3], $0x80, $0x38;
	[tilespmem:$0x18080] =	vst v63  }
0x1fd: {  	_ =	swait.ge [sflag:s7], $0x80  }
0x1fe: {  	[sflag:s7] =	ssyncset.done $0x0  }
0x1ff: {  	[sflag:s7] =	ssyncadd.s32 $0xFFFFFF80  }
0x200: {  	v3 =	vld [tilespmem:$0x0];
	_ =	sdelay $0x4  }
0x201: {  	v56 =	vshrl.u32 v3, $0x3  }
0x202: {  	v4 =	vmul.u32 $0x30, v56  }
0x203: {  	v3 =	vand.u32 $0x7, v3  }
0x204: {  	v3 =	vor.u32 v3, v4  }
0x205: {  	v4 =	vperm.xlane v3, v0;
	_ =	sdelay $0x1  }
0x206: {  	v4 =	vadd.s32 v1, v4;
	_ =	sdelay $0x3  }
0x207: {  	v3 =	vperm.xlane v3, v2  }
0x208: {  	[tilespmem:s28], [sflag:$0x1] =	stream.indirect_vreg.gather [hbm4b:s1+s3], $0x80, v4, vm0, $0xb8;
	[tilespmem:$0x18080] =	vst v63  }
0x209: {  	s0 =	simm.s32 $0x880;
	v3 =	vadd.s32 v1, v3  }
0x20a: {  	[tilespmem:s0], [sflag:$0x1] =	stream.indirect_vreg.gather [hbm4b:s4+s3], $0x80, v4, vm0, $0xb8;
	[tilespmem:$0x18080] =	vst v63  }
0x20b: {  	s8 =	simm.s32 $0x1080  }
0x20c: {  	[tilespmem:s8], [sflag:$0x1] =	stream.indirect_vreg.gather [hbm4b:s5+s3], $0x80, v4, vm0, $0xb8;
	[tilespmem:$0x18080] =	vst v63  }
0x20d: {  	s10 =	simm.s32 $0x1880  }
0x20e: {  	[tilespmem:s10], [sflag:$0x1] =	stream.indirect_vreg.gather [hbm4b:s1+s3], $0x80, v3, vm0, $0xb8;
	[tilespmem:$0x18080] =	vst v63  }
0x20f: {  	s11 =	simm.s32 $0x2080  }
0x210: {  	[tilespmem:s11], [sflag:$0x1] =	stream.indirect_vreg.gather [hbm4b:s4+s3], $0x80, v3, vm0, $0xb8;
	[tilespmem:$0x18080] =	vst v63  }
0x211: {  	s10 =	simm.s32 $0x2880  }
0x212: {  	[tilespmem:s10], [sflag:$0x1] =	stream.indirect_vreg.gather [hbm4b:s5+s3], $0x80, v3, vm0, $0xb8;
	[tilespmem:$0x18080] =	vst v63  }
0x213: {  	v3 =	vld [tilespmem:$0x10];
	_ =	sdelay $0x4  }
0x214: {  	v57 =	vshrl.u32 v3, $0x3  }
0x215: {  	v4 =	vmul.u32 $0x30, v57  }
0x216: {  	v3 =	vand.u32 $0x7, v3  }
0x217: {  	v3 =	vor.u32 v3, v4  }
0x218: {  	v4 =	vperm.xlane v3, v0;
	_ =	sdelay $0x1  }
0x219: {  	v4 =	vadd.s32 v1, v4;
	_ =	sdelay $0x3  }
0x21a: {  	s11 =	simm.s32 $0x3080;
	v3 =	vperm.xlane v3, v2  }
0x21b: {  	[tilespmem:s11], [sflag:$0x1] =	stream.indirect_vreg.gather [hbm4b:s1+s3], $0x80, v4, vm0, $0xb8;
	[tilespmem:$0x18080] =	vst v63  }
0x21c: {  	s12 =	simm.s32 $0x3880;
	v3 =	vadd.s32 v1, v3  }
0x21d: {  	[tilespmem:s12], [sflag:$0x1] =	stream.indirect_vreg.gather [hbm4b:s4+s3], $0x80, v4, vm0, $0xb8;
	[tilespmem:$0x18080] =	vst v63  }
0x21e: {  	s13 =	simm.s32 $0x4080  }
0x21f: {  	[tilespmem:s13], [sflag:$0x1] =	stream.indirect_vreg.gather [hbm4b:s5+s3], $0x80, v4, vm0, $0xb8;
	[tilespmem:$0x18080] =	vst v63  }
0x220: {  	s14 =	simm.s32 $0x4880  }
0x221: {  	[tilespmem:s14], [sflag:$0x1] =	stream.indirect_vreg.gather [hbm4b:s1+s3], $0x80, v3, vm0, $0xb8;
	[tilespmem:$0x18080] =	vst v63  }
0x222: {  	s15 =	simm.s32 $0x5080  }
0x223: {  	[tilespmem:s15], [sflag:$0x1] =	stream.indirect_vreg.gather [hbm4b:s4+s3], $0x80, v3, vm0, $0xb8;
	[tilespmem:$0x18080] =	vst v63  }
0x224: {  	s14 =	simm.s32 $0x5880  }
0x225: {  	[tilespmem:s14], [sflag:$0x1] =	stream.indirect_vreg.gather [hbm4b:s5+s3], $0x80, v3, vm0, $0xb8;
	[tilespmem:$0x18080] =	vst v63  }
0x226: {  	v3 =	vld [tilespmem:$0x20];
	_ =	sdelay $0x4  }
0x227: {  	v58 =	vshrl.u32 v3, $0x3  }
0x228: {  	v4 =	vmul.u32 $0x30, v58  }
0x229: {  	v3 =	vand.u32 $0x7, v3  }
0x22a: {  	v3 =	vor.u32 v3, v4  }
0x22b: {  	v4 =	vperm.xlane v3, v0;
	_ =	sdelay $0x1  }
0x22c: {  	v4 =	vadd.s32 v1, v4;
	_ =	sdelay $0x3  }
0x22d: {  	s15 =	simm.s32 $0x6080;
	v3 =	vperm.xlane v3, v2  }
0x22e: {  	[tilespmem:s15], [sflag:$0x1] =	stream.indirect_vreg.gather [hbm4b:s1+s3], $0x80, v4, vm0, $0xb8;
	[tilespmem:$0x18080] =	vst v63  }
0x22f: {  	s16 =	simm.s32 $0x6880;
	v3 =	vadd.s32 v1, v3  }
0x230: {  	[tilespmem:s16], [sflag:$0x1] =	stream.indirect_vreg.gather [hbm4b:s4+s3], $0x80, v4, vm0, $0xb8;
	[tilespmem:$0x18080] =	vst v63  }
0x231: {  	s17 =	simm.s32 $0x7080  }
0x232: {  	[tilespmem:s17], [sflag:$0x1] =	stream.indirect_vreg.gather [hbm4b:s5+s3], $0x80, v4, vm0, $0xb8;
	[tilespmem:$0x18080] =	vst v63  }
0x233: {  	s18 =	simm.s32 $0x7880  }
0x234: {  	[tilespmem:s18], [sflag:$0x1] =	stream.indirect_vreg.gather [hbm4b:s1+s3], $0x80, v3, vm0, $0xb8;
	[tilespmem:$0x18080] =	vst v63  }
0x235: {  	s19 =	simm.s32 $0x8080  }
0x236: {  	[tilespmem:s19], [sflag:$0x1] =	stream.indirect_vreg.gather [hbm4b:s4+s3], $0x80, v3, vm0, $0xb8;
	[tilespmem:$0x18080] =	vst v63  }
0x237: {  	s8 =	simm.s32 $0x8880  }
0x238: {  	[tilespmem:s8], [sflag:$0x1] =	stream.indirect_vreg.gather [hbm4b:s5+s3], $0x80, v3, vm0, $0xb8;
	[tilespmem:$0x18080] =	vst v63  }
0x239: {  	v3 =	vld [tilespmem:$0x30];
	_ =	sdelay $0x4  }
0x23a: {  	v59 =	vshrl.u32 v3, $0x3  }
0x23b: {  	v4 =	vmul.u32 $0x30, v59  }
0x23c: {  	v3 =	vand.u32 $0x7, v3  }
0x23d: {  	v3 =	vor.u32 v3, v4  }
0x23e: {  	v4 =	vperm.xlane v3, v0;
	_ =	sdelay $0x1  }
0x23f: {  	v4 =	vadd.s32 v1, v4;
	_ =	sdelay $0x3  }
0x240: {  	s9 =	simm.s32 $0x9080;
	v3 =	vperm.xlane v3, v2  }
0x241: {  	[tilespmem:s9], [sflag:$0x1] =	stream.indirect_vreg.gather [hbm4b:s1+s3], $0x80, v4, vm0, $0xb8;
	[tilespmem:$0x18080] =	vst v63  }
0x242: {  	s20 =	simm.s32 $0x9880;
	v3 =	vadd.s32 v1, v3  }
0x243: {  	[tilespmem:s20], [sflag:$0x1] =	stream.indirect_vreg.gather [hbm4b:s4+s3], $0x80, v4, vm0, $0xb8;
	[tilespmem:$0x18080] =	vst v63  }
0x244: {  	s21 =	simm.s32 $0xA080  }
0x245: {  	[tilespmem:s21], [sflag:$0x1] =	stream.indirect_vreg.gather [hbm4b:s5+s3], $0x80, v4, vm0, $0xb8;
	[tilespmem:$0x18080] =	vst v63  }
0x246: {  	s22 =	simm.s32 $0xA880  }
0x247: {  	[tilespmem:s22], [sflag:$0x1] =	stream.indirect_vreg.gather [hbm4b:s1+s3], $0x80, v3, vm0, $0xb8;
	[tilespmem:$0x18080] =	vst v63  }
0x248: {  	s10 =	simm.s32 $0xB080  }
0x249: {  	[tilespmem:s10], [sflag:$0x1] =	stream.indirect_vreg.gather [hbm4b:s4+s3], $0x80, v3, vm0, $0xb8;
	[tilespmem:$0x18080] =	vst v63  }
0x24a: {  	s11 =	simm.s32 $0xB880  }
0x24b: {  	[tilespmem:s11], [sflag:$0x1] =	stream.indirect_vreg.gather [hbm4b:s5+s3], $0x80, v3, vm0, $0xb8;
	[tilespmem:$0x18080] =	vst v63  }
0x24c: {  	v3 =	vld [tilespmem:$0x40];
	_ =	sdelay $0x4  }
0x24d: {  	v60 =	vshrl.u32 v3, $0x3  }
0x24e: {  	v4 =	vmul.u32 $0x30, v60  }
0x24f: {  	v3 =	vand.u32 $0x7, v3  }
0x250: {  	v3 =	vor.u32 v3, v4  }
0x251: {  	v4 =	vperm.xlane v3, v0;
	_ =	sdelay $0x1  }
0x252: {  	v4 =	vadd.s32 v1, v4;
	_ =	sdelay $0x3  }
0x253: {  	s12 =	simm.s32 $0xC080;
	v3 =	vperm.xlane v3, v2  }
0x254: {  	[tilespmem:s12], [sflag:$0x1] =	stream.indirect_vreg.gather [hbm4b:s1+s3], $0x80, v4, vm0, $0xb8;
	[tilespmem:$0x18080] =	vst v63  }
0x255: {  	s23 =	simm.s32 $0xC880;
	v3 =	vadd.s32 v1, v3  }
0x256: {  	[tilespmem:s23], [sflag:$0x1] =	stream.indirect_vreg.gather [hbm4b:s4+s3], $0x80, v4, vm0, $0xb8;
	[tilespmem:$0x18080] =	vst v63  }
0x257: {  	s24 =	simm.s32 $0xD080  }
0x258: {  	[tilespmem:s24], [sflag:$0x1] =	stream.indirect_vreg.gather [hbm4b:s5+s3], $0x80, v4, vm0, $0xb8;
	[tilespmem:$0x18080] =	vst v63  }
0x259: {  	s25 =	simm.s32 $0xD880  }
0x25a: {  	[tilespmem:s25], [sflag:$0x1] =	stream.indirect_vreg.gather [hbm4b:s1+s3], $0x80, v3, vm0, $0xb8;
	[tilespmem:$0x18080] =	vst v63  }
0x25b: {  	s26 =	simm.s32 $0xE080  }
0x25c: {  	[tilespmem:s26], [sflag:$0x1] =	stream.indirect_vreg.gather [hbm4b:s4+s3], $0x80, v3, vm0, $0xb8;
	[tilespmem:$0x18080] =	vst v63  }
0x25d: {  	s13 =	simm.s32 $0xE880  }
0x25e: {  	[tilespmem:s13], [sflag:$0x1] =	stream.indirect_vreg.gather [hbm4b:s5+s3], $0x80, v3, vm0, $0xb8;
	[tilespmem:$0x18080] =	vst v63  }
0x25f: {  	v3 =	vld [tilespmem:$0x50];
	_ =	sdelay $0x4  }
0x260: {  	v61 =	vshrl.u32 v3, $0x3  }
0x261: {  	v4 =	vmul.u32 $0x30, v61  }
0x262: {  	v3 =	vand.u32 $0x7, v3  }
0x263: {  	v3 =	vor.u32 v3, v4  }
0x264: {  	v4 =	vperm.xlane v3, v0;
	_ =	sdelay $0x1  }
0x265: {  	v4 =	vadd.s32 v1, v4;
	_ =	sdelay $0x3  }
0x266: {  	s14 =	simm.s32 $0xF080;
	v3 =	vperm.xlane v3, v2  }
0x267: {  	[tilespmem:s14], [sflag:$0x1] =	stream.indirect_vreg.gather [hbm4b:s1+s3], $0x80, v4, vm0, $0xb8;
	[tilespmem:$0x18080] =	vst v63  }
0x268: {  	s29 =	simm.s32 $0xF880;
	v3 =	vadd.s32 v1, v3  }
0x269: {  	[tilespmem:s29], [sflag:$0x1] =	stream.indirect_vreg.gather [hbm4b:s4+s3], $0x80, v4, vm0, $0xb8;
	[tilespmem:$0x18080] =	vst v63  }
0x26a: {  	s30 =	simm.s32 $0x10080  }
0x26b: {  	[tilespmem:s30], [sflag:$0x1] =	stream.indirect_vreg.gather [hbm4b:s5+s3], $0x80, v4, vm0, $0xb8;
	[tilespmem:$0x18080] =	vst v63  }
0x26c: {  	s31 =	simm.s32 $0x10880  }
0x26d: {  	[tilespmem:s31], [sflag:$0x1] =	stream.indirect_vreg.gather [hbm4b:s1+s3], $0x80, v3, vm0, $0xb8;
	[tilespmem:$0x18080] =	vst v63  }
0x26e: {  	s15 =	simm.s32 $0x11080  }
0x26f: {  	[tilespmem:s15], [sflag:$0x1] =	stream.indirect_vreg.gather [hbm4b:s4+s3], $0x80, v3, vm0, $0xb8;
	[tilespmem:$0x18080] =	vst v63  }
0x270: {  	s16 =	simm.s32 $0x11880  }
0x271: {  	[tilespmem:s16], [sflag:$0x1] =	stream.indirect_vreg.gather [hbm4b:s5+s3], $0x80, v3, vm0, $0xb8;
	[tilespmem:$0x18080] =	vst v63  }
0x272: {  	v3 =	vld [tilespmem:$0x60];
	_ =	sdelay $0x4  }
0x273: {  	v62 =	vshrl.u32 v3, $0x3  }
0x274: {  	v4 =	vmul.u32 $0x30, v62  }
0x275: {  	v3 =	vand.u32 $0x7, v3  }
0x276: {  	v3 =	vor.u32 v3, v4  }
0x277: {  	v4 =	vperm.xlane v3, v0;
	_ =	sdelay $0x1  }
0x278: {  	v4 =	vadd.s32 v1, v4;
	_ =	sdelay $0x3  }
0x279: {  	s17 =	simm.s32 $0x12080;
	v3 =	vperm.xlane v3, v2  }
0x27a: {  	[tilespmem:s17], [sflag:$0x1] =	stream.indirect_vreg.gather [hbm4b:s1+s3], $0x80, v4, vm0, $0xb8;
	[tilespmem:$0x18080] =	vst v63  }
0x27b: {  	s18 =	simm.s32 $0x12880;
	v3 =	vadd.s32 v1, v3  }
0x27c: {  	[tilespmem:s18], [sflag:$0x1] =	stream.indirect_vreg.gather [hbm4b:s4+s3], $0x80, v4, vm0, $0xb8;
	[tilespmem:$0x18080] =	vst v63  }
0x27d: {  	s19 =	simm.s32 $0x13080  }
0x27e: {  	[tilespmem:s19], [sflag:$0x1] =	stream.indirect_vreg.gather [hbm4b:s5+s3], $0x80, v4, vm0, $0xb8;
	[tilespmem:$0x18080] =	vst v63  }
0x27f: {  	s20 =	simm.s32 $0x13880  }
0x280: {  	[tilespmem:s20], [sflag:$0x1] =	stream.indirect_vreg.gather [hbm4b:s1+s3], $0x80, v3, vm0, $0xb8;
	[tilespmem:$0x18080] =	vst v63  }
0x281: {  	s21 =	simm.s32 $0x14080  }
0x282: {  	[tilespmem:s21], [sflag:$0x1] =	stream.indirect_vreg.gather [hbm4b:s4+s3], $0x80, v3, vm0, $0xb8;
	[tilespmem:$0x18080] =	vst v63  }
0x283: {  	s22 =	simm.s32 $0x14880  }
0x284: {  	[tilespmem:s22], [sflag:$0x1] =	stream.indirect_vreg.gather [hbm4b:s5+s3], $0x80, v3, vm0, $0xb8;
	[tilespmem:$0x18080] =	vst v63  }
0x285: {  	v3 =	vld [tilespmem:$0x70];
	_ =	sdelay $0x4  }
0x286: {  	v63 =	vshrl.u32 v3, $0x3  }
0x287: {  	v4 =	vmul.u32 $0x30, v63  }
0x288: {  	v3 =	vand.u32 $0x7, v3  }
0x289: {  	v3 =	vor.u32 v3, v4  }
0x28a: {  	v4 =	vperm.xlane v3, v0;
	_ =	sdelay $0x1  }
0x28b: {  	v4 =	vadd.s32 v1, v4;
	_ =	sdelay $0x3  }
0x28c: {  	s23 =	simm.s32 $0x15080;
	v3 =	vperm.xlane v3, v2  }
0x28d: {  	[tilespmem:s23], [sflag:$0x1] =	stream.indirect_vreg.gather [hbm4b:s1+s3], $0x80, v4, vm0, $0xb8;
	[tilespmem:$0x18080] =	vst v63  }
0x28e: {  	s24 =	simm.s32 $0x15880;
	v3 =	vadd.s32 v1, v3  }
0x28f: {  	[tilespmem:s24], [sflag:$0x1] =	stream.indirect_vreg.gather [hbm4b:s4+s3], $0x80, v4, vm0, $0xb8;
	[tilespmem:$0x18080] =	vst v63  }
0x290: {  	s25 =	simm.s32 $0x16080  }
0x291: {  	[tilespmem:s25], [sflag:$0x1] =	stream.indirect_vreg.gather [hbm4b:s5+s3], $0x80, v4, vm0, $0xb8;
	[tilespmem:$0x18080] =	vst v63  }
0x292: {  	s26 =	simm.s32 $0x16880  }
0x293: {  	[tilespmem:s26], [sflag:$0x1] =	stream.indirect_vreg.gather [hbm4b:s1+s3], $0x80, v3, vm0, $0xb8;
	[tilespmem:$0x18080] =	vst v63  }
0x294: {  	s29 =	simm.s32 $0x17080  }
0x295: {  	[tilespmem:s29], [sflag:$0x1] =	stream.indirect_vreg.gather [hbm4b:s4+s3], $0x80, v3, vm0, $0xb8;
	[tilespmem:$0x18080] =	vst v63  }
0x296: {  	s30 =	simm.s32 $0x17880  }
0x297: {  	[tilespmem:s30], [sflag:$0x1] =	stream.indirect_vreg.gather [hbm4b:s5+s3], $0x80, v3, vm0, $0xb8;
	[tilespmem:$0x18080] =	vst v63  }
0x298: {  	_ =	swait.ge [sflag:s2], $0x18000  }
0x299: {  	p0 =	sne.s32 s6, $0x1;
	[sflag:s2] =	ssyncset.done $0x0  }
.Ltmp0:
0x29a: {  	s31 =	rddreg [dreg:$0xb];
	[sflag:s2] =	ssyncadd.s32 $0xFFFE8000;
	(pc) =	sbr.rel @p0 .LBB2_1-.Ltmp0, $4  }
0x29b: {  	[hbm4b:s31+s3] =	stream.linear.scatter [tilespmem:s28], [sflag:$0x2], $0x18000, $0x38;
	[tilespmem:$0x18080] =	vst v63  }
0x29c: {  	_ =	swait.ge [sflag:s7], $0x18000  }
0x29d: {  	[sflag:s7] =	ssyncset.done $0x0  }
0x29e: {  	s6 =	sadd.s32 $0xFFFFFFFF, s6;
	[sflag:s7] =	ssyncadd.s32 $0xFFFE8000  }
0x29f: {  	_ =	sfence.sel $0x180000  }
0x2a0: {  	[bflag:$0x0] =	sbarrier.arrive $0xFFFF  }
0x2a1: {  	_ =	strace $0x90000047  }
0x2a2: {  	s0 =	stileid.u32;
	[bflag:$0x2] =	sbarrier.arrive $0xFFFF  }
0x2a3: {  	p0 =	sne.s32 s0, $0x0;
	s0 =	rddreg [dreg:$0x3]  }
0x2a4: {  	s0 =	sadd.s32 @!p0 $0x100000, s0  }
0x2a5: {  	[sflag:s0] =	ssyncadd.tile.s32 @!p0 $0x1;
	_ =	shalt  }
.Lfunc_end2:
_tile_overlayer_lowered:
.L_overlay_start_2:
0x2a6: {  	(tag) =	ssettag $0x2  }
0x2a7: {  	s0 =	rddreg [dreg:$0x0];
	s2 =	stileid.u32  }
0x2a8: {  	s1 =	rddreg [dreg:$0x1];
	p0 =	sne.s32 s2, $0x0  }
0x2a9: {  	s3 =	rddreg [dreg:$0x2];
	[bflag:$0x3] =	sbarrier.arrive $0xFFFF;
	s2 =	simm.s32 @!p0 $0x1C02  }
0x2aa: {  	[timem:s3], [sflag:s2] =	dma.local @!p0 [hbm:s0], s1  }
0x2ab: {  	s0 =	simm.s32 @!p0 $0x2  }
0x2ac: {  	_ =	swait.ge @!p0 [sflag:s0], s1  }
0x2ad: {  	s1 =	ssub.s32 @!p0 $0x0, s1;
	[sflag:s0] =	ssyncset.done @!p0 $0x0  }
0x2ae: {  	[sflag:s0] =	ssyncadd.s32 @!p0 s1  }
0x2af: {  	[bflag:$0x3] =	sbarrier.arrive $0xFFFF  }
0x2b0: {  	_ =	shalt  }

</sc_bundles>
